<compile_context>
chip_gen: v7x
topology: tpu7x:2x2x1
jax: 0.10.2.dev20260603
libtpu: 0.0.44.dev20260713+nightly
codegen_flags: <defaults>
</compile_context>

<pallas_src>
import dataclasses
import functools

import jax
import jax.numpy as jnp
from jax import lax
from jax.experimental import pallas as pl
from jax.experimental.pallas import tpu as pltpu
from jax.experimental.pallas import tpu_sc as plsc

NUM_CLASSES = 80
MAX_BOXES = 100
N = 60
L = 16
NVEC = 4


def _f32(*shape):
    return jax.ShapeDtypeStruct(shape, jnp.float32)


_MESH = plsc.VectorSubcoreMesh(core_axis_name="c", subcore_axis_name="s")

_CP = pltpu.CompilerParams()
if "needs_layout_passes" in pltpu.CompilerParams.__dataclass_fields__:
    _CP = dataclasses.replace(_CP, needs_layout_passes=False)
if "use_tc_tiling_on_sc" in pltpu.CompilerParams.__dataclass_fields__:
    _CP = dataclasses.replace(_CP, use_tc_tiling_on_sc=True)
_CP = dataclasses.replace(_CP, internal_scratch_in_bytes=1 << 20)


@functools.partial(
    pl.kernel,
    out_type=(
        _f32(4, 64),
        _f32(64, 64), _f32(64, 64, NUM_CLASSES),
        _f32(32, 32), _f32(32, 32, NUM_CLASSES),
        _f32(16, 16), _f32(16, 16, NUM_CLASSES),
    ),
    mesh=_MESH,
    compiler_params=_CP,
    scratch_types=[
        pltpu.VMEM((N, 5), jnp.float32),
        pltpu.VMEM((8, NVEC * L), jnp.int32),
        pltpu.VMEM((2, 64, NUM_CLASSES), jnp.float32),
        pltpu.VMEM((1, 32, NUM_CLASSES), jnp.float32),
        pltpu.VMEM((1, 16, NUM_CLASSES), jnp.float32),
        pltpu.VMEM((2, 64), jnp.float32),
        pltpu.VMEM((1, 32), jnp.float32),
        pltpu.VMEM((1, 16), jnp.float32),
        pltpu.VMEM((4, NVEC * L), jnp.float32),
        pltpu.SemaphoreType.DMA,
    ],
)
def _sc_label_kernel(label_hbm,
                     stage_hbm, obj8_hbm, cls8_hbm,
                     obj16_hbm, cls16_hbm, obj32_hbm, cls32_hbm,
                     lab_v, ci_v, c8_v, c16_v, c32_v, o8_v, o16_v, o32_v,
                     stage_v, sem):
    w = lax.axis_index("s") * 2 + lax.axis_index("c")
    x0 = 2 * w

    iota = lax.iota(jnp.int32, L)
    zeros16 = jnp.zeros((L,), jnp.float32)
    ones16 = jnp.ones((L,), jnp.float32)

    pltpu.sync_copy(label_hbm, lab_v)

    @pl.loop(0, NVEC)
    def _(v):
        rows = jnp.minimum(iota + v * L, N - 1)

        def _col(c):
            return plsc.load_gather(lab_v, [rows, jnp.full((L,), c, jnp.int32)])

        c8x = (_col(1) * 0.125).astype(jnp.int32)
        c8y = (_col(2) * 0.125).astype(jnp.int32)
        c16x = lax.shift_right_logical(c8x, 4)
        c16y = lax.shift_right_logical(c8y, 4)
        ci_v[0, pl.ds(v * L, L)] = c8x
        ci_v[1, pl.ds(v * L, L)] = c8y
        ci_v[2, pl.ds(v * L, L)] = c16x
        ci_v[3, pl.ds(v * L, L)] = c16y
        ci_v[4, pl.ds(v * L, L)] = lax.shift_right_logical(c16x, 5)
        ci_v[5, pl.ds(v * L, L)] = lax.shift_right_logical(c16y, 5)
        ci_v[6, pl.ds(v * L, L)] = _col(0).astype(jnp.int32)

    def _scatter_pass(cls_ref, obj_ref, rx, ry, xlo, nrows):
        @pl.loop(0, NVEC)
        def _(v):
            cx = ci_v[rx, pl.ds(v * L, L)]
            inr = (iota < (N - v * L)) & (cx >= xlo) & (cx < xlo + nrows)

            @pl.when(jnp.any(inr))
            def _():
                cy = ci_v[ry, pl.ds(v * L, L)]
                cls_i = ci_v[6, pl.ds(v * L, L)]
                lx = jnp.minimum(jnp.maximum(cx - xlo, 0), nrows - 1)

                @pl.loop(0, L)
                def _(l):
                    m = (iota == l) & inr
                    plsc.addupdate_scatter(cls_ref, [lx, cy, cls_i],
                                           ones16, mask=m)
                    plsc.addupdate_scatter(obj_ref, [lx, cy], ones16, mask=m)

    handles = []

    @pl.loop(0, 2)
    def _(i):
        @pl.loop(0, 64)
        def _(j):
            for k in range(NUM_CLASSES // L):
                c8_v[i, j, pl.ds(k * L, L)] = zeros16

    for i in range(2):
        for k in range(64 // L):
            o8_v[i, pl.ds(k * L, L)] = zeros16

    _scatter_pass(c8_v, o8_v, 0, 1, x0, 2)
    handles.append(pltpu.async_copy(c8_v, cls8_hbm.at[pl.ds(x0, 2)], sem))
    handles.append(pltpu.async_copy(o8_v, obj8_hbm.at[pl.ds(x0, 2)], sem))

    @pl.loop(0, 32)
    def _(j):
        for k in range(NUM_CLASSES // L):
            c16_v[0, j, pl.ds(k * L, L)] = zeros16

    for k in range(32 // L):
        o16_v[0, pl.ds(k * L, L)] = zeros16

    _scatter_pass(c16_v, o16_v, 2, 3, w, 1)
    handles.append(pltpu.async_copy(c16_v, cls16_hbm.at[pl.ds(w, 1)], sem))
    handles.append(pltpu.async_copy(o16_v, obj16_hbm.at[pl.ds(w, 1)], sem))

    @pl.when(w < 16)
    def _():
        @pl.loop(0, 16)
        def _(j):
            for k in range(NUM_CLASSES // L):
                c32_v[0, j, pl.ds(k * L, L)] = zeros16

        o32_v[0, pl.ds(0, L)] = zeros16

        _scatter_pass(c32_v, o32_v, 4, 5, w, 1)
        pltpu.sync_copy(c32_v, cls32_hbm.at[pl.ds(w, 1)])
        pltpu.sync_copy(o32_v, obj32_hbm.at[pl.ds(w, 1)])

    @pl.when(w == 17)
    def _():
        @pl.loop(0, NVEC)
        def _(v):
            for r in range(4):
                stage_v[r, pl.ds(v * L, L)] = (
                    ci_v[r, pl.ds(v * L, L)].astype(jnp.float32))
        pltpu.sync_copy(stage_v, stage_hbm)

    for h in handles:
        h.wait()


def kernel(image, label):
    (stage, obj8, cls8, obj16, cls16,
     obj32, cls32) = _sc_label_kernel(label)
    pad = jnp.zeros((MAX_BOXES - N, 4), jnp.float32)
    wh = label[:, 3:5]
    box8 = jnp.concatenate([label[:, 1:5], pad], axis=0)
    box16 = jnp.concatenate(
        [jnp.concatenate([stage[0:2, :N].T, wh], axis=1), pad], axis=0)
    box32 = jnp.concatenate(
        [jnp.concatenate([stage[2:4, :N].T, wh], axis=1), pad], axis=0)
    return (image, box8, obj8, cls8, box16, obj16, cls16,
            box32, obj32, cls32)

# --- scband reference (transcript-rebuilt; emitter-appended) ---
"""Pipeline reference for scband-label-preprocessor-86827058856132 (READ-ONLY COPY).

The authoritative reference and input builder live on the scoring server;
editing this copy changes nothing except your own understanding.
"""

import jax, jax.numpy as jnp
import numpy as np

NUM_CLASSES = 80
MAX_BOXES = 100
STRIDES = (8, 16, 32)


def setup_inputs(seed: int = 0) -> dict:
    key = jax.random.key(seed)
    k1, k2, k3, k4 = jax.random.split(key, 4)
    image = jax.random.normal(k1, (3, 512, 512), dtype=jnp.float32)
    n = 60
    cls = jax.random.randint(k2, (n, 1), 0, NUM_CLASSES).astype(jnp.float32)
    xy = jax.random.uniform(k3, (n, 2), dtype=jnp.float32) * 511.0
    wh = jax.random.uniform(k4, (n, 2), dtype=jnp.float32) * 256.0
    label = jnp.concatenate([cls, xy, wh], axis=1)
    return {"image": image, "label": label}


def _forward(image, label):
    size = image.shape[-1]
    outs = [image]
    lab = label
    for stride in STRIDES:
        n_cells = size // stride
        n = lab.shape[0]
        # make_bbox_label: (?,5) -> (max_boxes, 4); note: reads CURRENT (possibly mutated) lab
        label_box = jnp.zeros((MAX_BOXES, 4), dtype=jnp.float32).at[:n, :].set(lab[:, 1:])
        # make_objectness_label: scatter-add ones at (x_cell, y_cell)
        xy = lab[:, 1:3]
        cell = ((xy - jnp.fmod(xy, float(stride))) / float(stride)).astype(jnp.int32)
        label_obj = jnp.zeros((n_cells, n_cells), dtype=jnp.float32).at[cell[:, 0], cell[:, 1]].add(jnp.ones((n,), dtype=jnp.float32))
        # make_classification_label: torch code mutates label[:, 1:3] IN PLACE (view aliasing);
        # replicate that mutation so subsequent strides see cell-index coordinates.
        new_xy = (lab[:, 1:3] - jnp.fmod(lab[:, 1:3], float(stride))) / float(stride)
        lab = lab.at[:, 1:3].set(new_xy)
        idx = lab[:, 0:3].astype(jnp.int32)  # (class, x_cell, y_cell)
        label_class = jnp.zeros((n_cells, n_cells, NUM_CLASSES), dtype=jnp.float32).at[idx[:, 1], idx[:, 2], idx[:, 0]].add(jnp.ones((n,), dtype=jnp.float32))
        outs.extend([label_box, label_obj, label_class])
    return tuple(outs)


def reference(image, label):
    # returns (image, box_s8, obj_s8, cls_s8, box_s16, obj_s16, cls_s16, box_s32, obj_s32, cls_s32)
    return _forward(image, label)

if __name__ == "__main__":
    import jax
    _d = setup_inputs()
    print(jax.jit(kernel)(*tuple(_d.values())))

</pallas_src>

<mosaic_0001>
#map = affine_map<(d0, d1) -> (0, 0)>
#map1 = affine_map<(d0, d1) -> (0, 0, 0)>
module attributes {stable_mosaic.version = 14 : i64} {
  func.func @_sc_label_kernel(%arg0: i32, %arg1: i32, %arg2: memref<60x5xf32, #tpu.memory_space<hbm>>, %arg3: memref<4x64xf32, #tpu.memory_space<hbm>>, %arg4: memref<64x64xf32, #tpu.memory_space<hbm>>, %arg5: memref<64x64x80xf32, #tpu.memory_space<hbm>>, %arg6: memref<32x32xf32, #tpu.memory_space<hbm>>, %arg7: memref<32x32x80xf32, #tpu.memory_space<hbm>>, %arg8: memref<16x16xf32, #tpu.memory_space<hbm>>, %arg9: memref<16x16x80xf32, #tpu.memory_space<hbm>>, %arg10: memref<60x5xf32, #tpu.memory_space<vmem>>, %arg11: memref<8x64xi32, #tpu.memory_space<vmem>>, %arg12: memref<2x64x80xf32, #tpu.memory_space<vmem>>, %arg13: memref<1x32x80xf32, #tpu.memory_space<vmem>>, %arg14: memref<1x16x80xf32, #tpu.memory_space<vmem>>, %arg15: memref<2x64xf32, #tpu.memory_space<vmem>>, %arg16: memref<1x32xf32, #tpu.memory_space<vmem>>, %arg17: memref<1x16xf32, #tpu.memory_space<vmem>>, %arg18: memref<4x64xf32, #tpu.memory_space<vmem>>, %arg19: memref<!tpu.dma_semaphore, #tpu.memory_space<semaphore_mem>>) attributes {dimension_semantics = [#tpu.dimension_semantics<core_parallel>, #tpu.dimension_semantics<subcore_parallel>], iteration_bounds = array<i64: 2, 16>, scalar_prefetch = 0 : i64, scratch_operands = 10 : i64, tpu.core_type = #tpu.core_type<sc_vector_subcore>, window_params = [{transform_indices = #map}, {transform_indices = #map}, {transform_indices = #map}, {transform_indices = #map1}, {transform_indices = #map}, {transform_indices = #map1}, {transform_indices = #map}, {transform_indices = #map1}]} {
    %mul3A = arith.constant 2 : i32
    %mul3A_0 = arith.muli %arg1, %mul3A : i32
    %add3A = arith.addi %mul3A_0, %arg0 : i32
    %mul3A_1 = arith.constant 2 : i32
    %mul3A_2 = arith.muli %mul3A_1, %add3A : i32
    %iota3A = tpu.iota {dimensions = array<i32: 0>} : vector<16xi32>
    %broadcast_in_dim3A = arith.constant 0.000000e+00 : f32
    %broadcast_in_dim3A_3 = vector.broadcast %broadcast_in_dim3A : f32 to vector<16xf32>
    %broadcast_in_dim3A_4 = arith.constant 1.000000e+00 : f32
    %broadcast_in_dim3A_5 = vector.broadcast %broadcast_in_dim3A_4 : f32 to vector<16xf32>
    "tpu.region"() ({
      %run_scoped3A = tpu.sem_alloc : memref<!tpu.dma_semaphore, #tpu.memory_space<semaphore_mem>>
      tpu.enqueue_dma source(%arg2 : memref<60x5xf32, #tpu.memory_space<hbm>>) target(%arg10 : memref<60x5xf32, #tpu.memory_space<vmem>>) target_semaphore(%run_scoped3A : memref<!tpu.dma_semaphore, #tpu.memory_space<semaphore_mem>>)
      tpu.wait_dma2 semaphore(%run_scoped3A : memref<!tpu.dma_semaphore, #tpu.memory_space<semaphore_mem>>) src(%arg2 : memref<60x5xf32, #tpu.memory_space<hbm>>) dst(%arg10 : memref<60x5xf32, #tpu.memory_space<vmem>>)
      tpu.yield
    }) : () -> ()
    %scan3A = arith.constant 0 : i32
    %scan3A_6 = arith.constant 4 : i32
    %scan3A_7 = arith.addi %scan3A, %scan3A_6 : i32
    %scan3A_8 = arith.constant 1 : i32
    scf.for %scan3A_113 = %scan3A to %scan3A_7 step %scan3A_8  : i32 {
      %mul3A_114 = arith.constant 1 : i32
      %mul3A_115 = arith.muli %scan3A_113, %mul3A_114 : i32
      %add3A_116 = arith.constant 0 : i32
      %add3A_117 = arith.addi %add3A_116, %mul3A_115 : i32
      %mul3A_118 = arith.constant 16 : i32
      %mul3A_119 = arith.muli %add3A_117, %mul3A_118 : i32
      %add3A_120 = vector.broadcast %mul3A_119 : i32 to vector<16xi32>
      %add3A_121 = arith.addi %iota3A, %add3A_120 : vector<16xi32>
      %min3A = arith.constant 59 : i32
      %min3A_122 = vector.broadcast %min3A : i32 to vector<16xi32>
      %min3A_123 = arith.minsi %add3A_121, %min3A_122 : vector<16xi32>
      %broadcast_in_dim3A_124 = arith.constant 1 : i32
      %broadcast_in_dim3A_125 = vector.broadcast %broadcast_in_dim3A_124 : i32 to vector<16xi32>
      %gather3A = tpu.vector_load_idx %arg10[%min3A_123, %broadcast_in_dim3A_125] : memref<60x5xf32, #tpu.memory_space<vmem>>[vector<16xi32>, vector<16xi32>], vector<16xf32>,
      %mul3A_126 = arith.constant 1.250000e-01 : f32
      %mul3A_127 = vector.broadcast %mul3A_126 : f32 to vector<16xf32>
      %mul3A_128 = arith.mulf %gather3A, %mul3A_127 : vector<16xf32>
      %convert_element_type3A_129 = arith.fptosi %mul3A_128 : vector<16xf32> to vector<16xi32>
      %broadcast_in_dim3A_130 = arith.constant 2 : i32
      %broadcast_in_dim3A_131 = vector.broadcast %broadcast_in_dim3A_130 : i32 to vector<16xi32>
      %gather3A_132 = tpu.vector_load_idx %arg10[%min3A_123, %broadcast_in_dim3A_131] : memref<60x5xf32, #tpu.memory_space<vmem>>[vector<16xi32>, vector<16xi32>], vector<16xf32>,
      %mul3A_133 = arith.constant 1.250000e-01 : f32
      %mul3A_134 = vector.broadcast %mul3A_133 : f32 to vector<16xf32>
      %mul3A_135 = arith.mulf %gather3A_132, %mul3A_134 : vector<16xf32>
      %convert_element_type3A_136 = arith.fptosi %mul3A_135 : vector<16xf32> to vector<16xi32>
      %shift_right_logical3A = arith.constant 4 : i32
      %shift_right_logical3A_137 = vector.broadcast %shift_right_logical3A : i32 to vector<16xi32>
      %shift_right_logical3A_138 = arith.shrui %convert_element_type3A_129, %shift_right_logical3A_137 : vector<16xi32>
      %shift_right_logical3A_139 = arith.constant 4 : i32
      %shift_right_logical3A_140 = vector.broadcast %shift_right_logical3A_139 : i32 to vector<16xi32>
      %shift_right_logical3A_141 = arith.shrui %convert_element_type3A_136, %shift_right_logical3A_140 : vector<16xi32>
      %mul3A_142 = arith.constant 16 : i32
      %mul3A_143 = arith.muli %add3A_117, %mul3A_142 : i32
      %swap3A_144 = arith.constant 0 : i32
      %swap3A_145 = arith.index_cast %swap3A_144 : i32 to index
      %swap3A_146 = arith.index_cast %mul3A_143 : i32 to index
      %swap3A_147 = tpu.vector_load %arg11[%swap3A_145, %swap3A_146] {strides = array<i32>} : memref<8x64xi32, #tpu.memory_space<vmem>>, vector<16xi32>,
      tpu.vector_store %arg11[%swap3A_145, %swap3A_146], %convert_element_type3A_129 {strides = array<i32>} : memref<8x64xi32, #tpu.memory_space<vmem>>, vector<16xi32>,
      %mul3A_148 = arith.constant 16 : i32
      %mul3A_149 = arith.muli %add3A_117, %mul3A_148 : i32
      %swap3A_150 = arith.constant 1 : i32
      %swap3A_151 = arith.index_cast %swap3A_150 : i32 to index
      %swap3A_152 = arith.index_cast %mul3A_149 : i32 to index
      %swap3A_153 = tpu.vector_load %arg11[%swap3A_151, %swap3A_152] {strides = array<i32>} : memref<8x64xi32, #tpu.memory_space<vmem>>, vector<16xi32>,
      tpu.vector_store %arg11[%swap3A_151, %swap3A_152], %convert_element_type3A_136 {strides = array<i32>} : memref<8x64xi32, #tpu.memory_space<vmem>>, vector<16xi32>,
      %mul3A_154 = arith.constant 16 : i32
      %mul3A_155 = arith.muli %add3A_117, %mul3A_154 : i32
      %swap3A_156 = arith.constant 2 : i32
      %swap3A_157 = arith.index_cast %swap3A_156 : i32 to index
      %swap3A_158 = arith.index_cast %mul3A_155 : i32 to index
      %swap3A_159 = tpu.vector_load %arg11[%swap3A_157, %swap3A_158] {strides = array<i32>} : memref<8x64xi32, #tpu.memory_space<vmem>>, vector<16xi32>,
      tpu.vector_store %arg11[%swap3A_157, %swap3A_158], %shift_right_logical3A_138 {strides = array<i32>} : memref<8x64xi32, #tpu.memory_space<vmem>>, vector<16xi32>,
      %mul3A_160 = arith.constant 16 : i32
      %mul3A_161 = arith.muli %add3A_117, %mul3A_160 : i32
      %swap3A_162 = arith.constant 3 : i32
      %swap3A_163 = arith.index_cast %swap3A_162 : i32 to index
      %swap3A_164 = arith.index_cast %mul3A_161 : i32 to index
      %swap3A_165 = tpu.vector_load %arg11[%swap3A_163, %swap3A_164] {strides = array<i32>} : memref<8x64xi32, #tpu.memory_space<vmem>>, vector<16xi32>,
      tpu.vector_store %arg11[%swap3A_163, %swap3A_164], %shift_right_logical3A_141 {strides = array<i32>} : memref<8x64xi32, #tpu.memory_space<vmem>>, vector<16xi32>,
      %shift_right_logical3A_166 = arith.constant 5 : i32
      %shift_right_logical3A_167 = vector.broadcast %shift_right_logical3A_166 : i32 to vector<16xi32>
      %shift_right_logical3A_168 = arith.shrui %shift_right_logical3A_138, %shift_right_logical3A_167 : vector<16xi32>
      %mul3A_169 = arith.constant 16 : i32
      %mul3A_170 = arith.muli %add3A_117, %mul3A_169 : i32
      %swap3A_171 = arith.constant 4 : i32
      %swap3A_172 = arith.index_cast %swap3A_171 : i32 to index
      %swap3A_173 = arith.index_cast %mul3A_170 : i32 to index
      %swap3A_174 = tpu.vector_load %arg11[%swap3A_172, %swap3A_173] {strides = array<i32>} : memref<8x64xi32, #tpu.memory_space<vmem>>, vector<16xi32>,
      tpu.vector_store %arg11[%swap3A_172, %swap3A_173], %shift_right_logical3A_168 {strides = array<i32>} : memref<8x64xi32, #tpu.memory_space<vmem>>, vector<16xi32>,
      %shift_right_logical3A_175 = arith.constant 5 : i32
      %shift_right_logical3A_176 = vector.broadcast %shift_right_logical3A_175 : i32 to vector<16xi32>
      %shift_right_logical3A_177 = arith.shrui %shift_right_logical3A_141, %shift_right_logical3A_176 : vector<16xi32>
      %mul3A_178 = arith.constant 16 : i32
      %mul3A_179 = arith.muli %add3A_117, %mul3A_178 : i32
      %swap3A_180 = arith.constant 5 : i32
      %swap3A_181 = arith.index_cast %swap3A_180 : i32 to index
      %swap3A_182 = arith.index_cast %mul3A_179 : i32 to index
      %swap3A_183 = tpu.vector_load %arg11[%swap3A_181, %swap3A_182] {strides = array<i32>} : memref<8x64xi32, #tpu.memory_space<vmem>>, vector<16xi32>,
      tpu.vector_store %arg11[%swap3A_181, %swap3A_182], %shift_right_logical3A_177 {strides = array<i32>} : memref<8x64xi32, #tpu.memory_space<vmem>>, vector<16xi32>,
      %broadcast_in_dim3A_184 = arith.constant 0 : i32
      %broadcast_in_dim3A_185 = vector.broadcast %broadcast_in_dim3A_184 : i32 to vector<16xi32>
      %gather3A_186 = tpu.vector_load_idx %arg10[%min3A_123, %broadcast_in_dim3A_185] : memref<60x5xf32, #tpu.memory_space<vmem>>[vector<16xi32>, vector<16xi32>], vector<16xf32>,
      %convert_element_type3A_187 = arith.fptosi %gather3A_186 : vector<16xf32> to vector<16xi32>
      %mul3A_188 = arith.constant 16 : i32
      %mul3A_189 = arith.muli %add3A_117, %mul3A_188 : i32
      %swap3A_190 = arith.constant 6 : i32
      %swap3A_191 = arith.index_cast %swap3A_190 : i32 to index
      %swap3A_192 = arith.index_cast %mul3A_189 : i32 to index
      %swap3A_193 = tpu.vector_load %arg11[%swap3A_191, %swap3A_192] {strides = array<i32>} : memref<8x64xi32, #tpu.memory_space<vmem>>, vector<16xi32>,
      tpu.vector_store %arg11[%swap3A_191, %swap3A_192], %convert_element_type3A_187 {strides = array<i32>} : memref<8x64xi32, #tpu.memory_space<vmem>>, vector<16xi32>,
    }
    %scan3A_9 = arith.constant 4 : i32
    %scan3A_10 = arith.constant 0 : i32
    %scan3A_11 = arith.constant 2 : i32
    %scan3A_12 = arith.addi %scan3A_10, %scan3A_11 : i32
    %scan3A_13 = arith.constant 1 : i32
    scf.for %scan3A_113 = %scan3A_10 to %scan3A_12 step %scan3A_13  : i32 {
      %mul3A_114 = arith.constant 1 : i32
      %mul3A_115 = arith.muli %scan3A_113, %mul3A_114 : i32
      %add3A_116 = arith.constant 0 : i32
      %add3A_117 = arith.addi %add3A_116, %mul3A_115 : i32
      %scan3A_118 = arith.constant 0 : i32
      %scan3A_119 = arith.constant 64 : i32
      %scan3A_120 = arith.addi %scan3A_118, %scan3A_119 : i32
      %scan3A_121 = arith.constant 1 : i32
      scf.for %scan3A_123 = %scan3A_118 to %scan3A_120 step %scan3A_121  : i32 {
        %mul3A_124 = arith.constant 1 : i32
        %mul3A_125 = arith.muli %scan3A_123, %mul3A_124 : i32
        %add3A_126 = arith.constant 0 : i32
        %add3A_127 = arith.addi %add3A_126, %mul3A_125 : i32
        %swap3A_128 = arith.index_cast %add3A_117 : i32 to index
        %swap3A_129 = arith.index_cast %add3A_127 : i32 to index
        %swap3A_130 = arith.constant 0 : index
        %swap3A_131 = tpu.vector_load %arg12[%swap3A_128, %swap3A_129, %swap3A_130] {strides = array<i32>} : memref<2x64x80xf32, #tpu.memory_space<vmem>>, vector<16xf32>,
        tpu.vector_store %arg12[%swap3A_128, %swap3A_129, %swap3A_130], %broadcast_in_dim3A_3 {strides = array<i32>} : memref<2x64x80xf32, #tpu.memory_space<vmem>>, vector<16xf32>,
        %swap3A_132 = arith.index_cast %add3A_117 : i32 to index
        %swap3A_133 = arith.index_cast %add3A_127 : i32 to index
        %swap3A_134 = arith.constant 16 : index
        %swap3A_135 = tpu.vector_load %arg12[%swap3A_132, %swap3A_133, %swap3A_134] {strides = array<i32>} : memref<2x64x80xf32, #tpu.memory_space<vmem>>, vector<16xf32>,
        tpu.vector_store %arg12[%swap3A_132, %swap3A_133, %swap3A_134], %broadcast_in_dim3A_3 {strides = array<i32>} : memref<2x64x80xf32, #tpu.memory_space<vmem>>, vector<16xf32>,
        %swap3A_136 = arith.index_cast %add3A_117 : i32 to index
        %swap3A_137 = arith.index_cast %add3A_127 : i32 to index
        %swap3A_138 = arith.constant 32 : index
        %swap3A_139 = tpu.vector_load %arg12[%swap3A_136, %swap3A_137, %swap3A_138] {strides = array<i32>} : memref<2x64x80xf32, #tpu.memory_space<vmem>>, vector<16xf32>,
        tpu.vector_store %arg12[%swap3A_136, %swap3A_137, %swap3A_138], %broadcast_in_dim3A_3 {strides = array<i32>} : memref<2x64x80xf32, #tpu.memory_space<vmem>>, vector<16xf32>,
        %swap3A_140 = arith.index_cast %add3A_117 : i32 to index
        %swap3A_141 = arith.index_cast %add3A_127 : i32 to index
        %swap3A_142 = arith.constant 48 : index
        %swap3A_143 = tpu.vector_load %arg12[%swap3A_140, %swap3A_141, %swap3A_142] {strides = array<i32>} : memref<2x64x80xf32, #tpu.memory_space<vmem>>, vector<16xf32>,
        tpu.vector_store %arg12[%swap3A_140, %swap3A_141, %swap3A_142], %broadcast_in_dim3A_3 {strides = array<i32>} : memref<2x64x80xf32, #tpu.memory_space<vmem>>, vector<16xf32>,
        %swap3A_144 = arith.index_cast %add3A_117 : i32 to index
        %swap3A_145 = arith.index_cast %add3A_127 : i32 to index
        %swap3A_146 = arith.constant 64 : index
        %swap3A_147 = tpu.vector_load %arg12[%swap3A_144, %swap3A_145, %swap3A_146] {strides = array<i32>} : memref<2x64x80xf32, #tpu.memory_space<vmem>>, vector<16xf32>,
        tpu.vector_store %arg12[%swap3A_144, %swap3A_145, %swap3A_146], %broadcast_in_dim3A_3 {strides = array<i32>} : memref<2x64x80xf32, #tpu.memory_space<vmem>>, vector<16xf32>,
      }
      %scan3A_122 = arith.constant 64 : i32
    }
    %scan3A_14 = arith.constant 2 : i32
    %swap3A = arith.constant 0 : i32
    %swap3A_15 = arith.index_cast %swap3A : i32 to index
    %swap3A_16 = arith.constant 0 : index
    %swap3A_17 = tpu.vector_load %arg15[%swap3A_15, %swap3A_16] {strides = array<i32>} : memref<2x64xf32, #tpu.memory_space<vmem>>, vector<16xf32>,
    tpu.vector_store %arg15[%swap3A_15, %swap3A_16], %broadcast_in_dim3A_3 {strides = array<i32>} : memref<2x64xf32, #tpu.memory_space<vmem>>, vector<16xf32>,
    %swap3A_18 = arith.constant 0 : i32
    %swap3A_19 = arith.index_cast %swap3A_18 : i32 to index
    %swap3A_20 = arith.constant 16 : index
    %swap3A_21 = tpu.vector_load %arg15[%swap3A_19, %swap3A_20] {strides = array<i32>} : memref<2x64xf32, #tpu.memory_space<vmem>>, vector<16xf32>,
    tpu.vector_store %arg15[%swap3A_19, %swap3A_20], %broadcast_in_dim3A_3 {strides = array<i32>} : memref<2x64xf32, #tpu.memory_space<vmem>>, vector<16xf32>,
    %swap3A_22 = arith.constant 0 : i32
    %swap3A_23 = arith.index_cast %swap3A_22 : i32 to index
    %swap3A_24 = arith.constant 32 : index
    %swap3A_25 = tpu.vector_load %arg15[%swap3A_23, %swap3A_24] {strides = array<i32>} : memref<2x64xf32, #tpu.memory_space<vmem>>, vector<16xf32>,
    tpu.vector_store %arg15[%swap3A_23, %swap3A_24], %broadcast_in_dim3A_3 {strides = array<i32>} : memref<2x64xf32, #tpu.memory_space<vmem>>, vector<16xf32>,
    %swap3A_26 = arith.constant 0 : i32
    %swap3A_27 = arith.index_cast %swap3A_26 : i32 to index
    %swap3A_28 = arith.constant 48 : index
    %swap3A_29 = tpu.vector_load %arg15[%swap3A_27, %swap3A_28] {strides = array<i32>} : memref<2x64xf32, #tpu.memory_space<vmem>>, vector<16xf32>,
    tpu.vector_store %arg15[%swap3A_27, %swap3A_28], %broadcast_in_dim3A_3 {strides = array<i32>} : memref<2x64xf32, #tpu.memory_space<vmem>>, vector<16xf32>,
    %swap3A_30 = arith.constant 1 : i32
    %swap3A_31 = arith.index_cast %swap3A_30 : i32 to index
    %swap3A_32 = arith.constant 0 : index
    %swap3A_33 = tpu.vector_load %arg15[%swap3A_31, %swap3A_32] {strides = array<i32>} : memref<2x64xf32, #tpu.memory_space<vmem>>, vector<16xf32>,
    tpu.vector_store %arg15[%swap3A_31, %swap3A_32], %broadcast_in_dim3A_3 {strides = array<i32>} : memref<2x64xf32, #tpu.memory_space<vmem>>, vector<16xf32>,
    %swap3A_34 = arith.constant 1 : i32
    %swap3A_35 = arith.index_cast %swap3A_34 : i32 to index
    %swap3A_36 = arith.constant 16 : index
    %swap3A_37 = tpu.vector_load %arg15[%swap3A_35, %swap3A_36] {strides = array<i32>} : memref<2x64xf32, #tpu.memory_space<vmem>>, vector<16xf32>,
    tpu.vector_store %arg15[%swap3A_35, %swap3A_36], %broadcast_in_dim3A_3 {strides = array<i32>} : memref<2x64xf32, #tpu.memory_space<vmem>>, vector<16xf32>,
    %swap3A_38 = arith.constant 1 : i32
    %swap3A_39 = arith.index_cast %swap3A_38 : i32 to index
    %swap3A_40 = arith.constant 32 : index
    %swap3A_41 = tpu.vector_load %arg15[%swap3A_39, %swap3A_40] {strides = array<i32>} : memref<2x64xf32, #tpu.memory_space<vmem>>, vector<16xf32>,
    tpu.vector_store %arg15[%swap3A_39, %swap3A_40], %broadcast_in_dim3A_3 {strides = array<i32>} : memref<2x64xf32, #tpu.memory_space<vmem>>, vector<16xf32>,
    %swap3A_42 = arith.constant 1 : i32
    %swap3A_43 = arith.index_cast %swap3A_42 : i32 to index
    %swap3A_44 = arith.constant 48 : index
    %swap3A_45 = tpu.vector_load %arg15[%swap3A_43, %swap3A_44] {strides = array<i32>} : memref<2x64xf32, #tpu.memory_space<vmem>>, vector<16xf32>,
    tpu.vector_store %arg15[%swap3A_43, %swap3A_44], %broadcast_in_dim3A_3 {strides = array<i32>} : memref<2x64xf32, #tpu.memory_space<vmem>>, vector<16xf32>,
    %scan3A_46 = arith.constant 0 : i32
    %scan3A_47 = arith.constant 4 : i32
    %scan3A_48 = arith.addi %scan3A_46, %scan3A_47 : i32
    %scan3A_49 = arith.constant 1 : i32
    scf.for %scan3A_113 = %scan3A_46 to %scan3A_48 step %scan3A_49  : i32 {
      %mul3A_114 = arith.constant 1 : i32
      %mul3A_115 = arith.muli %scan3A_113, %mul3A_114 : i32
      %add3A_116 = arith.constant 0 : i32
      %add3A_117 = arith.addi %add3A_116, %mul3A_115 : i32
      %mul3A_118 = arith.constant 16 : i32
      %mul3A_119 = arith.muli %add3A_117, %mul3A_118 : i32
      %get3A = arith.constant 0 : i32
      %get3A_120 = arith.index_cast %get3A : i32 to index
      %get3A_121 = arith.index_cast %mul3A_119 : i32 to index
      %get3A_122 = tpu.vector_load %arg11[%get3A_120, %get3A_121] {strides = array<i32>} : memref<8x64xi32, #tpu.memory_space<vmem>>, vector<16xi32>,
      %mul3A_123 = arith.constant 16 : i32
      %mul3A_124 = arith.muli %add3A_117, %mul3A_123 : i32
      %sub3A = arith.constant 60 : i32
      %sub3A_125 = arith.subi %sub3A, %mul3A_124 : i32
      %lt3A_126 = vector.broadcast %sub3A_125 : i32 to vector<16xi32>
      %lt3A_127 = arith.cmpi slt, %iota3A, %lt3A_126 : vector<16xi32>
      %ge3A = vector.broadcast %mul3A_2 : i32 to vector<16xi32>
      %ge3A_128 = arith.cmpi sge, %get3A_122, %ge3A : vector<16xi32>
      %and3A = arith.andi %lt3A_127, %ge3A_128 : vector<16xi1>
      %add3A_129 = arith.constant 2 : i32
      %add3A_130 = arith.addi %mul3A_2, %add3A_129 : i32
      %lt3A_131 = vector.broadcast %add3A_130 : i32 to vector<16xi32>
      %lt3A_132 = arith.cmpi slt, %get3A_122, %lt3A_131 : vector<16xi32>
      %and3A_133 = arith.andi %and3A, %lt3A_132 : vector<16xi1>
      %reduce_or3A = arith.constant 1.000000e+00 : f32
      %reduce_or3A_134 = arith.constant 0.000000e+00 : f32
      %reduce_or3A_135 = vector.broadcast %reduce_or3A : f32 to vector<16xf32>
      %reduce_or3A_136 = vector.broadcast %reduce_or3A_134 : f32 to vector<16xf32>
      %reduce_or3A_137 = arith.select %and3A_133, %reduce_or3A_135, %reduce_or3A_136 : vector<16xi1>, vector<16xf32>
      %reduce_or3A_138 = arith.constant true
      %reduce_or3A_139 = vector.broadcast %reduce_or3A_138 : i1 to vector<16xi1>
      %reduce_or3A_140 = tpu.scan <max>, %reduce_or3A_137 masked %reduce_or3A_139 : vector<16xf32>, vector<16xi1> -> vector<16xf32>
      %reduce_or3A_141 = vector.extract %reduce_or3A_140[15] : f32 from vector<16xf32>
      %reduce_or3A_142 = arith.constant 0.000000e+00 : f32
      %reduce_or3A_143 = arith.cmpf ogt, %reduce_or3A_141, %reduce_or3A_142 : f32
      %convert_element_type3A_144 = arith.extui %reduce_or3A_143 : i1 to i32
      %cond3A_145 = arith.constant 0 : i32
      %cond3A_146 = arith.cmpi ne, %convert_element_type3A_144, %cond3A_145 : i32
      scf.if %cond3A_146 {
        %mul3A_147 = arith.constant 16 : i32
        %mul3A_148 = arith.muli %add3A_117, %mul3A_147 : i32
        %get3A_149 = arith.constant 1 : i32
        %get3A_150 = arith.index_cast %get3A_149 : i32 to index
        %get3A_151 = arith.index_cast %mul3A_148 : i32 to index
        %get3A_152 = tpu.vector_load %arg11[%get3A_150, %get3A_151] {strides = array<i32>} : memref<8x64xi32, #tpu.memory_space<vmem>>, vector<16xi32>,
        %mul3A_153 = arith.constant 16 : i32
        %mul3A_154 = arith.muli %add3A_117, %mul3A_153 : i32
        %get3A_155 = arith.constant 6 : i32
        %get3A_156 = arith.index_cast %get3A_155 : i32 to index
        %get3A_157 = arith.index_cast %mul3A_154 : i32 to index
        %get3A_158 = tpu.vector_load %arg11[%get3A_156, %get3A_157] {strides = array<i32>} : memref<8x64xi32, #tpu.memory_space<vmem>>, vector<16xi32>,
        %sub3A_159 = vector.broadcast %mul3A_2 : i32 to vector<16xi32>
        %sub3A_160 = arith.subi %get3A_122, %sub3A_159 : vector<16xi32>
        %max3A = arith.constant 0 : i32
        %max3A_161 = vector.broadcast %max3A : i32 to vector<16xi32>
        %max3A_162 = arith.maxsi %sub3A_160, %max3A_161 : vector<16xi32>
        %min3A = arith.constant 1 : i32
        %min3A_163 = vector.broadcast %min3A : i32 to vector<16xi32>
        %min3A_164 = arith.minsi %max3A_162, %min3A_163 : vector<16xi32>
        %scan3A_165 = arith.constant 0 : i32
        %scan3A_166 = arith.constant 16 : i32
        %scan3A_167 = arith.addi %scan3A_165, %scan3A_166 : i32
        %scan3A_168 = arith.constant 1 : i32
        scf.for %scan3A_170 = %scan3A_165 to %scan3A_167 step %scan3A_168  : i32 {
          %mul3A_171 = arith.constant 1 : i32
          %mul3A_172 = arith.muli %scan3A_170, %mul3A_171 : i32
          %add3A_173 = arith.constant 0 : i32
          %add3A_174 = arith.addi %add3A_173, %mul3A_172 : i32
          %eq3A_175 = vector.broadcast %add3A_174 : i32 to vector<16xi32>
          %eq3A_176 = arith.cmpi eq, %iota3A, %eq3A_175 : vector<16xi32>
          %and3A_177 = arith.andi %eq3A_176, %and3A_133 : vector<16xi1>
          tpu.vector_store_idx %arg12[%min3A_164, %get3A_152, %get3A_158], %broadcast_in_dim3A_5 masked %and3A_177 {add = true} : memref<2x64x80xf32, #tpu.memory_space<vmem>>[vector<16xi32>, vector<16xi32>, vector<16xi32>], vector<16xf32>, vector<16xi1>
          tpu.vector_store_idx %arg15[%min3A_164, %get3A_152], %broadcast_in_dim3A_5 masked %and3A_177 {add = true} : memref<2x64xf32, #tpu.memory_space<vmem>>[vector<16xi32>, vector<16xi32>], vector<16xf32>, vector<16xi1>
        }
        %scan3A_169 = arith.constant 16 : i32
      } else {
      }
    }
    %scan3A_50 = arith.constant 4 : i32
    %dma_start3A = arith.constant 0 : i32
    %dma_start3A_51 = arith.constant 0 : i32
    %dma_start3A_52 = tpu.memref_slice %arg5[%mul3A_2, %dma_start3A, %dma_start3A_51] : memref<64x64x80xf32, #tpu.memory_space<hbm>> -> memref<2x64x80xf32, #tpu.memory_space<hbm>>
    %dma_start3A_53 = arith.constant 0 : i32
    %dma_start3A_54 = arith.constant 0 : i32
    %dma_start3A_55 = tpu.memref_slice %arg5[%mul3A_2, %dma_start3A_53, %dma_start3A_54] : memref<64x64x80xf32, #tpu.memory_space<hbm>> -> memref<2x64x80xf32, #tpu.memory_space<hbm>>
    tpu.enqueue_dma source(%arg12 : memref<2x64x80xf32, #tpu.memory_space<vmem>>) target(%dma_start3A_55 : memref<2x64x80xf32, #tpu.memory_space<hbm>>) target_semaphore(%arg19 : memref<!tpu.dma_semaphore, #tpu.memory_space<semaphore_mem>>)
    %dma_start3A_56 = arith.constant 0 : i32
    %dma_start3A_57 = tpu.memref_slice %arg4[%mul3A_2, %dma_start3A_56] : memref<64x64xf32, #tpu.memory_space<hbm>> -> memref<2x64xf32, #tpu.memory_space<hbm>>
    %dma_start3A_58 = arith.constant 0 : i32
    %dma_start3A_59 = tpu.memref_slice %arg4[%mul3A_2, %dma_start3A_58] : memref<64x64xf32, #tpu.memory_space<hbm>> -> memref<2x64xf32, #tpu.memory_space<hbm>>
    tpu.enqueue_dma source(%arg15 : memref<2x64xf32, #tpu.memory_space<vmem>>) target(%dma_start3A_59 : memref<2x64xf32, #tpu.memory_space<hbm>>) target_semaphore(%arg19 : memref<!tpu.dma_semaphore, #tpu.memory_space<semaphore_mem>>)
    %scan3A_60 = arith.constant 0 : i32
    %scan3A_61 = arith.constant 32 : i32
    %scan3A_62 = arith.addi %scan3A_60, %scan3A_61 : i32
    %scan3A_63 = arith.constant 1 : i32
    scf.for %scan3A_113 = %scan3A_60 to %scan3A_62 step %scan3A_63  : i32 {
      %mul3A_114 = arith.constant 1 : i32
      %mul3A_115 = arith.muli %scan3A_113, %mul3A_114 : i32
      %add3A_116 = arith.constant 0 : i32
      %add3A_117 = arith.addi %add3A_116, %mul3A_115 : i32
      %swap3A_118 = arith.constant 0 : i32
      %swap3A_119 = arith.index_cast %swap3A_118 : i32 to index
      %swap3A_120 = arith.index_cast %add3A_117 : i32 to index
      %swap3A_121 = arith.constant 0 : index
      %swap3A_122 = tpu.vector_load %arg13[%swap3A_119, %swap3A_120, %swap3A_121] {strides = array<i32>} : memref<1x32x80xf32, #tpu.memory_space<vmem>>, vector<16xf32>,
      tpu.vector_store %arg13[%swap3A_119, %swap3A_120, %swap3A_121], %broadcast_in_dim3A_3 {strides = array<i32>} : memref<1x32x80xf32, #tpu.memory_space<vmem>>, vector<16xf32>,
      %swap3A_123 = arith.constant 0 : i32
      %swap3A_124 = arith.index_cast %swap3A_123 : i32 to index
      %swap3A_125 = arith.index_cast %add3A_117 : i32 to index
      %swap3A_126 = arith.constant 16 : index
      %swap3A_127 = tpu.vector_load %arg13[%swap3A_124, %swap3A_125, %swap3A_126] {strides = array<i32>} : memref<1x32x80xf32, #tpu.memory_space<vmem>>, vector<16xf32>,
      tpu.vector_store %arg13[%swap3A_124, %swap3A_125, %swap3A_126], %broadcast_in_dim3A_3 {strides = array<i32>} : memref<1x32x80xf32, #tpu.memory_space<vmem>>, vector<16xf32>,
      %swap3A_128 = arith.constant 0 : i32
      %swap3A_129 = arith.index_cast %swap3A_128 : i32 to index
      %swap3A_130 = arith.index_cast %add3A_117 : i32 to index
      %swap3A_131 = arith.constant 32 : index
      %swap3A_132 = tpu.vector_load %arg13[%swap3A_129, %swap3A_130, %swap3A_131] {strides = array<i32>} : memref<1x32x80xf32, #tpu.memory_space<vmem>>, vector<16xf32>,
      tpu.vector_store %arg13[%swap3A_129, %swap3A_130, %swap3A_131], %broadcast_in_dim3A_3 {strides = array<i32>} : memref<1x32x80xf32, #tpu.memory_space<vmem>>, vector<16xf32>,
      %swap3A_133 = arith.constant 0 : i32
      %swap3A_134 = arith.index_cast %swap3A_133 : i32 to index
      %swap3A_135 = arith.index_cast %add3A_117 : i32 to index
      %swap3A_136 = arith.constant 48 : index
      %swap3A_137 = tpu.vector_load %arg13[%swap3A_134, %swap3A_135, %swap3A_136] {strides = array<i32>} : memref<1x32x80xf32, #tpu.memory_space<vmem>>, vector<16xf32>,
      tpu.vector_store %arg13[%swap3A_134, %swap3A_135, %swap3A_136], %broadcast_in_dim3A_3 {strides = array<i32>} : memref<1x32x80xf32, #tpu.memory_space<vmem>>, vector<16xf32>,
      %swap3A_138 = arith.constant 0 : i32
      %swap3A_139 = arith.index_cast %swap3A_138 : i32 to index
      %swap3A_140 = arith.index_cast %add3A_117 : i32 to index
      %swap3A_141 = arith.constant 64 : index
      %swap3A_142 = tpu.vector_load %arg13[%swap3A_139, %swap3A_140, %swap3A_141] {strides = array<i32>} : memref<1x32x80xf32, #tpu.memory_space<vmem>>, vector<16xf32>,
      tpu.vector_store %arg13[%swap3A_139, %swap3A_140, %swap3A_141], %broadcast_in_dim3A_3 {strides = array<i32>} : memref<1x32x80xf32, #tpu.memory_space<vmem>>, vector<16xf32>,
    }
    %scan3A_64 = arith.constant 32 : i32
    %swap3A_65 = arith.constant 0 : i32
    %swap3A_66 = arith.index_cast %swap3A_65 : i32 to index
    %swap3A_67 = arith.constant 0 : index
    %swap3A_68 = tpu.vector_load %arg16[%swap3A_66, %swap3A_67] {strides = array<i32>} : memref<1x32xf32, #tpu.memory_space<vmem>>, vector<16xf32>,
    tpu.vector_store %arg16[%swap3A_66, %swap3A_67], %broadcast_in_dim3A_3 {strides = array<i32>} : memref<1x32xf32, #tpu.memory_space<vmem>>, vector<16xf32>,
    %swap3A_69 = arith.constant 0 : i32
    %swap3A_70 = arith.index_cast %swap3A_69 : i32 to index
    %swap3A_71 = arith.constant 16 : index
    %swap3A_72 = tpu.vector_load %arg16[%swap3A_70, %swap3A_71] {strides = array<i32>} : memref<1x32xf32, #tpu.memory_space<vmem>>, vector<16xf32>,
    tpu.vector_store %arg16[%swap3A_70, %swap3A_71], %broadcast_in_dim3A_3 {strides = array<i32>} : memref<1x32xf32, #tpu.memory_space<vmem>>, vector<16xf32>,
    %scan3A_73 = arith.constant 0 : i32
    %scan3A_74 = arith.constant 4 : i32
    %scan3A_75 = arith.addi %scan3A_73, %scan3A_74 : i32
    %scan3A_76 = arith.constant 1 : i32
    scf.for %scan3A_113 = %scan3A_73 to %scan3A_75 step %scan3A_76  : i32 {
      %mul3A_114 = arith.constant 1 : i32
      %mul3A_115 = arith.muli %scan3A_113, %mul3A_114 : i32
      %add3A_116 = arith.constant 0 : i32
      %add3A_117 = arith.addi %add3A_116, %mul3A_115 : i32
      %mul3A_118 = arith.constant 16 : i32
      %mul3A_119 = arith.muli %add3A_117, %mul3A_118 : i32
      %get3A = arith.constant 2 : i32
      %get3A_120 = arith.index_cast %get3A : i32 to index
      %get3A_121 = arith.index_cast %mul3A_119 : i32 to index
      %get3A_122 = tpu.vector_load %arg11[%get3A_120, %get3A_121] {strides = array<i32>} : memref<8x64xi32, #tpu.memory_space<vmem>>, vector<16xi32>,
      %mul3A_123 = arith.constant 16 : i32
      %mul3A_124 = arith.muli %add3A_117, %mul3A_123 : i32
      %sub3A = arith.constant 60 : i32
      %sub3A_125 = arith.subi %sub3A, %mul3A_124 : i32
      %lt3A_126 = vector.broadcast %sub3A_125 : i32 to vector<16xi32>
      %lt3A_127 = arith.cmpi slt, %iota3A, %lt3A_126 : vector<16xi32>
      %ge3A = vector.broadcast %add3A : i32 to vector<16xi32>
      %ge3A_128 = arith.cmpi sge, %get3A_122, %ge3A : vector<16xi32>
      %and3A = arith.andi %lt3A_127, %ge3A_128 : vector<16xi1>
      %add3A_129 = arith.constant 1 : i32
      %add3A_130 = arith.addi %add3A, %add3A_129 : i32
      %lt3A_131 = vector.broadcast %add3A_130 : i32 to vector<16xi32>
      %lt3A_132 = arith.cmpi slt, %get3A_122, %lt3A_131 : vector<16xi32>
      %and3A_133 = arith.andi %and3A, %lt3A_132 : vector<16xi1>
      %reduce_or3A = arith.constant 1.000000e+00 : f32
      %reduce_or3A_134 = arith.constant 0.000000e+00 : f32
      %reduce_or3A_135 = vector.broadcast %reduce_or3A : f32 to vector<16xf32>
      %reduce_or3A_136 = vector.broadcast %reduce_or3A_134 : f32 to vector<16xf32>
      %reduce_or3A_137 = arith.select %and3A_133, %reduce_or3A_135, %reduce_or3A_136 : vector<16xi1>, vector<16xf32>
      %reduce_or3A_138 = arith.constant true
      %reduce_or3A_139 = vector.broadcast %reduce_or3A_138 : i1 to vector<16xi1>
      %reduce_or3A_140 = tpu.scan <max>, %reduce_or3A_137 masked %reduce_or3A_139 : vector<16xf32>, vector<16xi1> -> vector<16xf32>
      %reduce_or3A_141 = vector.extract %reduce_or3A_140[15] : f32 from vector<16xf32>
      %reduce_or3A_142 = arith.constant 0.000000e+00 : f32
      %reduce_or3A_143 = arith.cmpf ogt, %reduce_or3A_141, %reduce_or3A_142 : f32
      %convert_element_type3A_144 = arith.extui %reduce_or3A_143 : i1 to i32
      %cond3A_145 = arith.constant 0 : i32
      %cond3A_146 = arith.cmpi ne, %convert_element_type3A_144, %cond3A_145 : i32
      scf.if %cond3A_146 {
        %mul3A_147 = arith.constant 16 : i32
        %mul3A_148 = arith.muli %add3A_117, %mul3A_147 : i32
        %get3A_149 = arith.constant 3 : i32
        %get3A_150 = arith.index_cast %get3A_149 : i32 to index
        %get3A_151 = arith.index_cast %mul3A_148 : i32 to index
        %get3A_152 = tpu.vector_load %arg11[%get3A_150, %get3A_151] {strides = array<i32>} : memref<8x64xi32, #tpu.memory_space<vmem>>, vector<16xi32>,
        %mul3A_153 = arith.constant 16 : i32
        %mul3A_154 = arith.muli %add3A_117, %mul3A_153 : i32
        %get3A_155 = arith.constant 6 : i32
        %get3A_156 = arith.index_cast %get3A_155 : i32 to index
        %get3A_157 = arith.index_cast %mul3A_154 : i32 to index
        %get3A_158 = tpu.vector_load %arg11[%get3A_156, %get3A_157] {strides = array<i32>} : memref<8x64xi32, #tpu.memory_space<vmem>>, vector<16xi32>,
        %sub3A_159 = vector.broadcast %add3A : i32 to vector<16xi32>
        %sub3A_160 = arith.subi %get3A_122, %sub3A_159 : vector<16xi32>
        %max3A = arith.constant 0 : i32
        %max3A_161 = vector.broadcast %max3A : i32 to vector<16xi32>
        %max3A_162 = arith.maxsi %sub3A_160, %max3A_161 : vector<16xi32>
        %min3A = arith.constant 0 : i32
        %min3A_163 = vector.broadcast %min3A : i32 to vector<16xi32>
        %min3A_164 = arith.minsi %max3A_162, %min3A_163 : vector<16xi32>
        %scan3A_165 = arith.constant 0 : i32
        %scan3A_166 = arith.constant 16 : i32
        %scan3A_167 = arith.addi %scan3A_165, %scan3A_166 : i32
        %scan3A_168 = arith.constant 1 : i32
        scf.for %scan3A_170 = %scan3A_165 to %scan3A_167 step %scan3A_168  : i32 {
          %mul3A_171 = arith.constant 1 : i32
          %mul3A_172 = arith.muli %scan3A_170, %mul3A_171 : i32
          %add3A_173 = arith.constant 0 : i32
          %add3A_174 = arith.addi %add3A_173, %mul3A_172 : i32
          %eq3A_175 = vector.broadcast %add3A_174 : i32 to vector<16xi32>
          %eq3A_176 = arith.cmpi eq, %iota3A, %eq3A_175 : vector<16xi32>
          %and3A_177 = arith.andi %eq3A_176, %and3A_133 : vector<16xi1>
          tpu.vector_store_idx %arg13[%min3A_164, %get3A_152, %get3A_158], %broadcast_in_dim3A_5 masked %and3A_177 {add = true} : memref<1x32x80xf32, #tpu.memory_space<vmem>>[vector<16xi32>, vector<16xi32>, vector<16xi32>], vector<16xf32>, vector<16xi1>
          tpu.vector_store_idx %arg16[%min3A_164, %get3A_152], %broadcast_in_dim3A_5 masked %and3A_177 {add = true} : memref<1x32xf32, #tpu.memory_space<vmem>>[vector<16xi32>, vector<16xi32>], vector<16xf32>, vector<16xi1>
        }
        %scan3A_169 = arith.constant 16 : i32
      } else {
      }
    }
    %scan3A_77 = arith.constant 4 : i32
    %dma_start3A_78 = arith.constant 0 : i32
    %dma_start3A_79 = arith.constant 0 : i32
    %dma_start3A_80 = tpu.memref_slice %arg7[%add3A, %dma_start3A_78, %dma_start3A_79] : memref<32x32x80xf32, #tpu.memory_space<hbm>> -> memref<1x32x80xf32, #tpu.memory_space<hbm>>
    %dma_start3A_81 = arith.constant 0 : i32
    %dma_start3A_82 = arith.constant 0 : i32
    %dma_start3A_83 = tpu.memref_slice %arg7[%add3A, %dma_start3A_81, %dma_start3A_82] : memref<32x32x80xf32, #tpu.memory_space<hbm>> -> memref<1x32x80xf32, #tpu.memory_space<hbm>>
    tpu.enqueue_dma source(%arg13 : memref<1x32x80xf32, #tpu.memory_space<vmem>>) target(%dma_start3A_83 : memref<1x32x80xf32, #tpu.memory_space<hbm>>) target_semaphore(%arg19 : memref<!tpu.dma_semaphore, #tpu.memory_space<semaphore_mem>>)
    %dma_start3A_84 = arith.constant 0 : i32
    %dma_start3A_85 = tpu.memref_slice %arg6[%add3A, %dma_start3A_84] : memref<32x32xf32, #tpu.memory_space<hbm>> -> memref<1x32xf32, #tpu.memory_space<hbm>>
    %dma_start3A_86 = arith.constant 0 : i32
    %dma_start3A_87 = tpu.memref_slice %arg6[%add3A, %dma_start3A_86] : memref<32x32xf32, #tpu.memory_space<hbm>> -> memref<1x32xf32, #tpu.memory_space<hbm>>
    tpu.enqueue_dma source(%arg16 : memref<1x32xf32, #tpu.memory_space<vmem>>) target(%dma_start3A_87 : memref<1x32xf32, #tpu.memory_space<hbm>>) target_semaphore(%arg19 : memref<!tpu.dma_semaphore, #tpu.memory_space<semaphore_mem>>)
    %lt3A = arith.constant 16 : i32
    %lt3A_88 = arith.cmpi slt, %add3A, %lt3A : i32
    %convert_element_type3A = arith.extui %lt3A_88 : i1 to i32
    %cond3A = arith.constant 0 : i32
    %cond3A_89 = arith.cmpi ne, %convert_element_type3A, %cond3A : i32
    scf.if %cond3A_89 {
      %scan3A_113 = arith.constant 0 : i32
      %scan3A_114 = arith.constant 16 : i32
      %scan3A_115 = arith.addi %scan3A_113, %scan3A_114 : i32
      %scan3A_116 = arith.constant 1 : i32
      scf.for %scan3A_127 = %scan3A_113 to %scan3A_115 step %scan3A_116  : i32 {
        %mul3A_128 = arith.constant 1 : i32
        %mul3A_129 = arith.muli %scan3A_127, %mul3A_128 : i32
        %add3A_130 = arith.constant 0 : i32
        %add3A_131 = arith.addi %add3A_130, %mul3A_129 : i32
        %swap3A_132 = arith.constant 0 : i32
        %swap3A_133 = arith.index_cast %swap3A_132 : i32 to index
        %swap3A_134 = arith.index_cast %add3A_131 : i32 to index
        %swap3A_135 = arith.constant 0 : index
        %swap3A_136 = tpu.vector_load %arg14[%swap3A_133, %swap3A_134, %swap3A_135] {strides = array<i32>} : memref<1x16x80xf32, #tpu.memory_space<vmem>>, vector<16xf32>,
        tpu.vector_store %arg14[%swap3A_133, %swap3A_134, %swap3A_135], %broadcast_in_dim3A_3 {strides = array<i32>} : memref<1x16x80xf32, #tpu.memory_space<vmem>>, vector<16xf32>,
        %swap3A_137 = arith.constant 0 : i32
        %swap3A_138 = arith.index_cast %swap3A_137 : i32 to index
        %swap3A_139 = arith.index_cast %add3A_131 : i32 to index
        %swap3A_140 = arith.constant 16 : index
        %swap3A_141 = tpu.vector_load %arg14[%swap3A_138, %swap3A_139, %swap3A_140] {strides = array<i32>} : memref<1x16x80xf32, #tpu.memory_space<vmem>>, vector<16xf32>,
        tpu.vector_store %arg14[%swap3A_138, %swap3A_139, %swap3A_140], %broadcast_in_dim3A_3 {strides = array<i32>} : memref<1x16x80xf32, #tpu.memory_space<vmem>>, vector<16xf32>,
        %swap3A_142 = arith.constant 0 : i32
        %swap3A_143 = arith.index_cast %swap3A_142 : i32 to index
        %swap3A_144 = arith.index_cast %add3A_131 : i32 to index
        %swap3A_145 = arith.constant 32 : index
        %swap3A_146 = tpu.vector_load %arg14[%swap3A_143, %swap3A_144, %swap3A_145] {strides = array<i32>} : memref<1x16x80xf32, #tpu.memory_space<vmem>>, vector<16xf32>,
        tpu.vector_store %arg14[%swap3A_143, %swap3A_144, %swap3A_145], %broadcast_in_dim3A_3 {strides = array<i32>} : memref<1x16x80xf32, #tpu.memory_space<vmem>>, vector<16xf32>,
        %swap3A_147 = arith.constant 0 : i32
        %swap3A_148 = arith.index_cast %swap3A_147 : i32 to index
        %swap3A_149 = arith.index_cast %add3A_131 : i32 to index
        %swap3A_150 = arith.constant 48 : index
        %swap3A_151 = tpu.vector_load %arg14[%swap3A_148, %swap3A_149, %swap3A_150] {strides = array<i32>} : memref<1x16x80xf32, #tpu.memory_space<vmem>>, vector<16xf32>,
        tpu.vector_store %arg14[%swap3A_148, %swap3A_149, %swap3A_150], %broadcast_in_dim3A_3 {strides = array<i32>} : memref<1x16x80xf32, #tpu.memory_space<vmem>>, vector<16xf32>,
        %swap3A_152 = arith.constant 0 : i32
        %swap3A_153 = arith.index_cast %swap3A_152 : i32 to index
        %swap3A_154 = arith.index_cast %add3A_131 : i32 to index
        %swap3A_155 = arith.constant 64 : index
        %swap3A_156 = tpu.vector_load %arg14[%swap3A_153, %swap3A_154, %swap3A_155] {strides = array<i32>} : memref<1x16x80xf32, #tpu.memory_space<vmem>>, vector<16xf32>,
        tpu.vector_store %arg14[%swap3A_153, %swap3A_154, %swap3A_155], %broadcast_in_dim3A_3 {strides = array<i32>} : memref<1x16x80xf32, #tpu.memory_space<vmem>>, vector<16xf32>,
      }
      %scan3A_117 = arith.constant 16 : i32
      %swap3A_118 = arith.constant 0 : i32
      %swap3A_119 = arith.index_cast %swap3A_118 : i32 to index
      %swap3A_120 = arith.constant 0 : index
      %swap3A_121 = tpu.vector_load %arg17[%swap3A_119, %swap3A_120] {strides = array<i32>} : memref<1x16xf32, #tpu.memory_space<vmem>>, vector<16xf32>,
      tpu.vector_store %arg17[%swap3A_119, %swap3A_120], %broadcast_in_dim3A_3 {strides = array<i32>} : memref<1x16xf32, #tpu.memory_space<vmem>>, vector<16xf32>,
      %scan3A_122 = arith.constant 0 : i32
      %scan3A_123 = arith.constant 4 : i32
      %scan3A_124 = arith.addi %scan3A_122, %scan3A_123 : i32
      %scan3A_125 = arith.constant 1 : i32
      scf.for %scan3A_127 = %scan3A_122 to %scan3A_124 step %scan3A_125  : i32 {
        %mul3A_128 = arith.constant 1 : i32
        %mul3A_129 = arith.muli %scan3A_127, %mul3A_128 : i32
        %add3A_130 = arith.constant 0 : i32
        %add3A_131 = arith.addi %add3A_130, %mul3A_129 : i32
        %mul3A_132 = arith.constant 16 : i32
        %mul3A_133 = arith.muli %add3A_131, %mul3A_132 : i32
        %get3A = arith.constant 4 : i32
        %get3A_134 = arith.index_cast %get3A : i32 to index
        %get3A_135 = arith.index_cast %mul3A_133 : i32 to index
        %get3A_136 = tpu.vector_load %arg11[%get3A_134, %get3A_135] {strides = array<i32>} : memref<8x64xi32, #tpu.memory_space<vmem>>, vector<16xi32>,
        %mul3A_137 = arith.constant 16 : i32
        %mul3A_138 = arith.muli %add3A_131, %mul3A_137 : i32
        %sub3A = arith.constant 60 : i32
        %sub3A_139 = arith.subi %sub3A, %mul3A_138 : i32
        %lt3A_140 = vector.broadcast %sub3A_139 : i32 to vector<16xi32>
        %lt3A_141 = arith.cmpi slt, %iota3A, %lt3A_140 : vector<16xi32>
        %ge3A = vector.broadcast %add3A : i32 to vector<16xi32>
        %ge3A_142 = arith.cmpi sge, %get3A_136, %ge3A : vector<16xi32>
        %and3A = arith.andi %lt3A_141, %ge3A_142 : vector<16xi1>
        %add3A_143 = arith.constant 1 : i32
        %add3A_144 = arith.addi %add3A, %add3A_143 : i32
        %lt3A_145 = vector.broadcast %add3A_144 : i32 to vector<16xi32>
        %lt3A_146 = arith.cmpi slt, %get3A_136, %lt3A_145 : vector<16xi32>
        %and3A_147 = arith.andi %and3A, %lt3A_146 : vector<16xi1>
        %reduce_or3A = arith.constant 1.000000e+00 : f32
        %reduce_or3A_148 = arith.constant 0.000000e+00 : f32
        %reduce_or3A_149 = vector.broadcast %reduce_or3A : f32 to vector<16xf32>
        %reduce_or3A_150 = vector.broadcast %reduce_or3A_148 : f32 to vector<16xf32>
        %reduce_or3A_151 = arith.select %and3A_147, %reduce_or3A_149, %reduce_or3A_150 : vector<16xi1>, vector<16xf32>
        %reduce_or3A_152 = arith.constant true
        %reduce_or3A_153 = vector.broadcast %reduce_or3A_152 : i1 to vector<16xi1>
        %reduce_or3A_154 = tpu.scan <max>, %reduce_or3A_151 masked %reduce_or3A_153 : vector<16xf32>, vector<16xi1> -> vector<16xf32>
        %reduce_or3A_155 = vector.extract %reduce_or3A_154[15] : f32 from vector<16xf32>
        %reduce_or3A_156 = arith.constant 0.000000e+00 : f32
        %reduce_or3A_157 = arith.cmpf ogt, %reduce_or3A_155, %reduce_or3A_156 : f32
        %convert_element_type3A_158 = arith.extui %reduce_or3A_157 : i1 to i32
        %cond3A_159 = arith.constant 0 : i32
        %cond3A_160 = arith.cmpi ne, %convert_element_type3A_158, %cond3A_159 : i32
        scf.if %cond3A_160 {
          %mul3A_161 = arith.constant 16 : i32
          %mul3A_162 = arith.muli %add3A_131, %mul3A_161 : i32
          %get3A_163 = arith.constant 5 : i32
          %get3A_164 = arith.index_cast %get3A_163 : i32 to index
          %get3A_165 = arith.index_cast %mul3A_162 : i32 to index
          %get3A_166 = tpu.vector_load %arg11[%get3A_164, %get3A_165] {strides = array<i32>} : memref<8x64xi32, #tpu.memory_space<vmem>>, vector<16xi32>,
          %mul3A_167 = arith.constant 16 : i32
          %mul3A_168 = arith.muli %add3A_131, %mul3A_167 : i32
          %get3A_169 = arith.constant 6 : i32
          %get3A_170 = arith.index_cast %get3A_169 : i32 to index
          %get3A_171 = arith.index_cast %mul3A_168 : i32 to index
          %get3A_172 = tpu.vector_load %arg11[%get3A_170, %get3A_171] {strides = array<i32>} : memref<8x64xi32, #tpu.memory_space<vmem>>, vector<16xi32>,
          %sub3A_173 = vector.broadcast %add3A : i32 to vector<16xi32>
          %sub3A_174 = arith.subi %get3A_136, %sub3A_173 : vector<16xi32>
          %max3A = arith.constant 0 : i32
          %max3A_175 = vector.broadcast %max3A : i32 to vector<16xi32>
          %max3A_176 = arith.maxsi %sub3A_174, %max3A_175 : vector<16xi32>
          %min3A = arith.constant 0 : i32
          %min3A_177 = vector.broadcast %min3A : i32 to vector<16xi32>
          %min3A_178 = arith.minsi %max3A_176, %min3A_177 : vector<16xi32>
          %scan3A_179 = arith.constant 0 : i32
          %scan3A_180 = arith.constant 16 : i32
          %scan3A_181 = arith.addi %scan3A_179, %scan3A_180 : i32
          %scan3A_182 = arith.constant 1 : i32
          scf.for %scan3A_184 = %scan3A_179 to %scan3A_181 step %scan3A_182  : i32 {
            %mul3A_185 = arith.constant 1 : i32
            %mul3A_186 = arith.muli %scan3A_184, %mul3A_185 : i32
            %add3A_187 = arith.constant 0 : i32
            %add3A_188 = arith.addi %add3A_187, %mul3A_186 : i32
            %eq3A_189 = vector.broadcast %add3A_188 : i32 to vector<16xi32>
            %eq3A_190 = arith.cmpi eq, %iota3A, %eq3A_189 : vector<16xi32>
            %and3A_191 = arith.andi %eq3A_190, %and3A_147 : vector<16xi1>
            tpu.vector_store_idx %arg14[%min3A_178, %get3A_166, %get3A_172], %broadcast_in_dim3A_5 masked %and3A_191 {add = true} : memref<1x16x80xf32, #tpu.memory_space<vmem>>[vector<16xi32>, vector<16xi32>, vector<16xi32>], vector<16xf32>, vector<16xi1>
            tpu.vector_store_idx %arg17[%min3A_178, %get3A_166], %broadcast_in_dim3A_5 masked %and3A_191 {add = true} : memref<1x16xf32, #tpu.memory_space<vmem>>[vector<16xi32>, vector<16xi32>], vector<16xf32>, vector<16xi1>
          }
          %scan3A_183 = arith.constant 16 : i32
        } else {
        }
      }
      %scan3A_126 = arith.constant 4 : i32
      "tpu.region"() ({
        %run_scoped3A = tpu.sem_alloc : memref<!tpu.dma_semaphore, #tpu.memory_space<semaphore_mem>>
        %dma_start3A_127 = arith.constant 0 : i32
        %dma_start3A_128 = arith.constant 0 : i32
        %dma_start3A_129 = tpu.memref_slice %arg9[%add3A, %dma_start3A_127, %dma_start3A_128] : memref<16x16x80xf32, #tpu.memory_space<hbm>> -> memref<1x16x80xf32, #tpu.memory_space<hbm>>
        %dma_start3A_130 = arith.constant 0 : i32
        %dma_start3A_131 = arith.constant 0 : i32
        %dma_start3A_132 = tpu.memref_slice %arg9[%add3A, %dma_start3A_130, %dma_start3A_131] : memref<16x16x80xf32, #tpu.memory_space<hbm>> -> memref<1x16x80xf32, #tpu.memory_space<hbm>>
        tpu.enqueue_dma source(%arg14 : memref<1x16x80xf32, #tpu.memory_space<vmem>>) target(%dma_start3A_132 : memref<1x16x80xf32, #tpu.memory_space<hbm>>) target_semaphore(%run_scoped3A : memref<!tpu.dma_semaphore, #tpu.memory_space<semaphore_mem>>)
        %dma_wait3A_133 = arith.constant 0 : i32
        %dma_wait3A_134 = arith.constant 0 : i32
        %dma_wait3A_135 = tpu.memref_slice %arg9[%add3A, %dma_wait3A_133, %dma_wait3A_134] : memref<16x16x80xf32, #tpu.memory_space<hbm>> -> memref<1x16x80xf32, #tpu.memory_space<hbm>>
        %dma_wait3A_136 = arith.constant 0 : i32
        %dma_wait3A_137 = arith.constant 0 : i32
        %dma_wait3A_138 = tpu.memref_slice %arg9[%add3A, %dma_wait3A_136, %dma_wait3A_137] : memref<16x16x80xf32, #tpu.memory_space<hbm>> -> memref<1x16x80xf32, #tpu.memory_space<hbm>>
        tpu.wait_dma2 semaphore(%run_scoped3A : memref<!tpu.dma_semaphore, #tpu.memory_space<semaphore_mem>>) src(%arg14 : memref<1x16x80xf32, #tpu.memory_space<vmem>>) dst(%dma_wait3A_138 : memref<1x16x80xf32, #tpu.memory_space<hbm>>)
        tpu.yield
      }) : () -> ()
      "tpu.region"() ({
        %run_scoped3A = tpu.sem_alloc : memref<!tpu.dma_semaphore, #tpu.memory_space<semaphore_mem>>
        %dma_start3A_127 = arith.constant 0 : i32
        %dma_start3A_128 = tpu.memref_slice %arg8[%add3A, %dma_start3A_127] : memref<16x16xf32, #tpu.memory_space<hbm>> -> memref<1x16xf32, #tpu.memory_space<hbm>>
        %dma_start3A_129 = arith.constant 0 : i32
        %dma_start3A_130 = tpu.memref_slice %arg8[%add3A, %dma_start3A_129] : memref<16x16xf32, #tpu.memory_space<hbm>> -> memref<1x16xf32, #tpu.memory_space<hbm>>
        tpu.enqueue_dma source(%arg17 : memref<1x16xf32, #tpu.memory_space<vmem>>) target(%dma_start3A_130 : memref<1x16xf32, #tpu.memory_space<hbm>>) target_semaphore(%run_scoped3A : memref<!tpu.dma_semaphore, #tpu.memory_space<semaphore_mem>>)
        %dma_wait3A_131 = arith.constant 0 : i32
        %dma_wait3A_132 = tpu.memref_slice %arg8[%add3A, %dma_wait3A_131] : memref<16x16xf32, #tpu.memory_space<hbm>> -> memref<1x16xf32, #tpu.memory_space<hbm>>
        %dma_wait3A_133 = arith.constant 0 : i32
        %dma_wait3A_134 = tpu.memref_slice %arg8[%add3A, %dma_wait3A_133] : memref<16x16xf32, #tpu.memory_space<hbm>> -> memref<1x16xf32, #tpu.memory_space<hbm>>
        tpu.wait_dma2 semaphore(%run_scoped3A : memref<!tpu.dma_semaphore, #tpu.memory_space<semaphore_mem>>) src(%arg17 : memref<1x16xf32, #tpu.memory_space<vmem>>) dst(%dma_wait3A_134 : memref<1x16xf32, #tpu.memory_space<hbm>>)
        tpu.yield
      }) : () -> ()
    } else {
    }
    %eq3A = arith.constant 17 : i32
    %eq3A_90 = arith.cmpi eq, %add3A, %eq3A : i32
    %convert_element_type3A_91 = arith.extui %eq3A_90 : i1 to i32
    %cond3A_92 = arith.constant 0 : i32
    %cond3A_93 = arith.cmpi ne, %convert_element_type3A_91, %cond3A_92 : i32
    scf.if %cond3A_93 {
      %scan3A_113 = arith.constant 0 : i32
      %scan3A_114 = arith.constant 4 : i32
      %scan3A_115 = arith.addi %scan3A_113, %scan3A_114 : i32
      %scan3A_116 = arith.constant 1 : i32
      scf.for %scan3A_118 = %scan3A_113 to %scan3A_115 step %scan3A_116  : i32 {
        %mul3A_119 = arith.constant 1 : i32
        %mul3A_120 = arith.muli %scan3A_118, %mul3A_119 : i32
        %add3A_121 = arith.constant 0 : i32
        %add3A_122 = arith.addi %add3A_121, %mul3A_120 : i32
        %mul3A_123 = arith.constant 16 : i32
        %mul3A_124 = arith.muli %add3A_122, %mul3A_123 : i32
        %get3A = arith.constant 0 : i32
        %get3A_125 = arith.index_cast %get3A : i32 to index
        %get3A_126 = arith.index_cast %mul3A_124 : i32 to index
        %get3A_127 = tpu.vector_load %arg11[%get3A_125, %get3A_126] {strides = array<i32>} : memref<8x64xi32, #tpu.memory_space<vmem>>, vector<16xi32>,
        %convert_element_type3A_128 = arith.sitofp %get3A_127 : vector<16xi32> to vector<16xf32>
        %mul3A_129 = arith.constant 16 : i32
        %mul3A_130 = arith.muli %add3A_122, %mul3A_129 : i32
        %swap3A_131 = arith.constant 0 : i32
        %swap3A_132 = arith.index_cast %swap3A_131 : i32 to index
        %swap3A_133 = arith.index_cast %mul3A_130 : i32 to index
        %swap3A_134 = tpu.vector_load %arg18[%swap3A_132, %swap3A_133] {strides = array<i32>} : memref<4x64xf32, #tpu.memory_space<vmem>>, vector<16xf32>,
        tpu.vector_store %arg18[%swap3A_132, %swap3A_133], %convert_element_type3A_128 {strides = array<i32>} : memref<4x64xf32, #tpu.memory_space<vmem>>, vector<16xf32>,
        %mul3A_135 = arith.constant 16 : i32
        %mul3A_136 = arith.muli %add3A_122, %mul3A_135 : i32
        %get3A_137 = arith.constant 1 : i32
        %get3A_138 = arith.index_cast %get3A_137 : i32 to index
        %get3A_139 = arith.index_cast %mul3A_136 : i32 to index
        %get3A_140 = tpu.vector_load %arg11[%get3A_138, %get3A_139] {strides = array<i32>} : memref<8x64xi32, #tpu.memory_space<vmem>>, vector<16xi32>,
        %convert_element_type3A_141 = arith.sitofp %get3A_140 : vector<16xi32> to vector<16xf32>
        %mul3A_142 = arith.constant 16 : i32
        %mul3A_143 = arith.muli %add3A_122, %mul3A_142 : i32
        %swap3A_144 = arith.constant 1 : i32
        %swap3A_145 = arith.index_cast %swap3A_144 : i32 to index
        %swap3A_146 = arith.index_cast %mul3A_143 : i32 to index
        %swap3A_147 = tpu.vector_load %arg18[%swap3A_145, %swap3A_146] {strides = array<i32>} : memref<4x64xf32, #tpu.memory_space<vmem>>, vector<16xf32>,
        tpu.vector_store %arg18[%swap3A_145, %swap3A_146], %convert_element_type3A_141 {strides = array<i32>} : memref<4x64xf32, #tpu.memory_space<vmem>>, vector<16xf32>,
        %mul3A_148 = arith.constant 16 : i32
        %mul3A_149 = arith.muli %add3A_122, %mul3A_148 : i32
        %get3A_150 = arith.constant 2 : i32
        %get3A_151 = arith.index_cast %get3A_150 : i32 to index
        %get3A_152 = arith.index_cast %mul3A_149 : i32 to index
        %get3A_153 = tpu.vector_load %arg11[%get3A_151, %get3A_152] {strides = array<i32>} : memref<8x64xi32, #tpu.memory_space<vmem>>, vector<16xi32>,
        %convert_element_type3A_154 = arith.sitofp %get3A_153 : vector<16xi32> to vector<16xf32>
        %mul3A_155 = arith.constant 16 : i32
        %mul3A_156 = arith.muli %add3A_122, %mul3A_155 : i32
        %swap3A_157 = arith.constant 2 : i32
        %swap3A_158 = arith.index_cast %swap3A_157 : i32 to index
        %swap3A_159 = arith.index_cast %mul3A_156 : i32 to index
        %swap3A_160 = tpu.vector_load %arg18[%swap3A_158, %swap3A_159] {strides = array<i32>} : memref<4x64xf32, #tpu.memory_space<vmem>>, vector<16xf32>,
        tpu.vector_store %arg18[%swap3A_158, %swap3A_159], %convert_element_type3A_154 {strides = array<i32>} : memref<4x64xf32, #tpu.memory_space<vmem>>, vector<16xf32>,
        %mul3A_161 = arith.constant 16 : i32
        %mul3A_162 = arith.muli %add3A_122, %mul3A_161 : i32
        %get3A_163 = arith.constant 3 : i32
        %get3A_164 = arith.index_cast %get3A_163 : i32 to index
        %get3A_165 = arith.index_cast %mul3A_162 : i32 to index
        %get3A_166 = tpu.vector_load %arg11[%get3A_164, %get3A_165] {strides = array<i32>} : memref<8x64xi32, #tpu.memory_space<vmem>>, vector<16xi32>,
        %convert_element_type3A_167 = arith.sitofp %get3A_166 : vector<16xi32> to vector<16xf32>
        %mul3A_168 = arith.constant 16 : i32
        %mul3A_169 = arith.muli %add3A_122, %mul3A_168 : i32
        %swap3A_170 = arith.constant 3 : i32
        %swap3A_171 = arith.index_cast %swap3A_170 : i32 to index
        %swap3A_172 = arith.index_cast %mul3A_169 : i32 to index
        %swap3A_173 = tpu.vector_load %arg18[%swap3A_171, %swap3A_172] {strides = array<i32>} : memref<4x64xf32, #tpu.memory_space<vmem>>, vector<16xf32>,
        tpu.vector_store %arg18[%swap3A_171, %swap3A_172], %convert_element_type3A_167 {strides = array<i32>} : memref<4x64xf32, #tpu.memory_space<vmem>>, vector<16xf32>,
      }
      %scan3A_117 = arith.constant 4 : i32
      "tpu.region"() ({
        %run_scoped3A = tpu.sem_alloc : memref<!tpu.dma_semaphore, #tpu.memory_space<semaphore_mem>>
        tpu.enqueue_dma source(%arg18 : memref<4x64xf32, #tpu.memory_space<vmem>>) target(%arg3 : memref<4x64xf32, #tpu.memory_space<hbm>>) target_semaphore(%run_scoped3A : memref<!tpu.dma_semaphore, #tpu.memory_space<semaphore_mem>>)
        tpu.wait_dma2 semaphore(%run_scoped3A : memref<!tpu.dma_semaphore, #tpu.memory_space<semaphore_mem>>) src(%arg18 : memref<4x64xf32, #tpu.memory_space<vmem>>) dst(%arg3 : memref<4x64xf32, #tpu.memory_space<hbm>>)
        tpu.yield
      }) : () -> ()
    } else {
    }
    %dma_wait3A = arith.constant 0 : i32
    %dma_wait3A_94 = arith.constant 0 : i32
    %dma_wait3A_95 = tpu.memref_slice %arg5[%mul3A_2, %dma_wait3A, %dma_wait3A_94] : memref<64x64x80xf32, #tpu.memory_space<hbm>> -> memref<2x64x80xf32, #tpu.memory_space<hbm>>
    %dma_wait3A_96 = arith.constant 0 : i32
    %dma_wait3A_97 = arith.constant 0 : i32
    %dma_wait3A_98 = tpu.memref_slice %arg5[%mul3A_2, %dma_wait3A_96, %dma_wait3A_97] : memref<64x64x80xf32, #tpu.memory_space<hbm>> -> memref<2x64x80xf32, #tpu.memory_space<hbm>>
    tpu.wait_dma2 semaphore(%arg19 : memref<!tpu.dma_semaphore, #tpu.memory_space<semaphore_mem>>) src(%arg12 : memref<2x64x80xf32, #tpu.memory_space<vmem>>) dst(%dma_wait3A_98 : memref<2x64x80xf32, #tpu.memory_space<hbm>>)
    %dma_wait3A_99 = arith.constant 0 : i32
    %dma_wait3A_100 = tpu.memref_slice %arg4[%mul3A_2, %dma_wait3A_99] : memref<64x64xf32, #tpu.memory_space<hbm>> -> memref<2x64xf32, #tpu.memory_space<hbm>>
    %dma_wait3A_101 = arith.constant 0 : i32
    %dma_wait3A_102 = tpu.memref_slice %arg4[%mul3A_2, %dma_wait3A_101] : memref<64x64xf32, #tpu.memory_space<hbm>> -> memref<2x64xf32, #tpu.memory_space<hbm>>
    tpu.wait_dma2 semaphore(%arg19 : memref<!tpu.dma_semaphore, #tpu.memory_space<semaphore_mem>>) src(%arg15 : memref<2x64xf32, #tpu.memory_space<vmem>>) dst(%dma_wait3A_102 : memref<2x64xf32, #tpu.memory_space<hbm>>)
    %dma_wait3A_103 = arith.constant 0 : i32
    %dma_wait3A_104 = arith.constant 0 : i32
    %dma_wait3A_105 = tpu.memref_slice %arg7[%add3A, %dma_wait3A_103, %dma_wait3A_104] : memref<32x32x80xf32, #tpu.memory_space<hbm>> -> memref<1x32x80xf32, #tpu.memory_space<hbm>>
    %dma_wait3A_106 = arith.constant 0 : i32
    %dma_wait3A_107 = arith.constant 0 : i32
    %dma_wait3A_108 = tpu.memref_slice %arg7[%add3A, %dma_wait3A_106, %dma_wait3A_107] : memref<32x32x80xf32, #tpu.memory_space<hbm>> -> memref<1x32x80xf32, #tpu.memory_space<hbm>>
    tpu.wait_dma2 semaphore(%arg19 : memref<!tpu.dma_semaphore, #tpu.memory_space<semaphore_mem>>) src(%arg13 : memref<1x32x80xf32, #tpu.memory_space<vmem>>) dst(%dma_wait3A_108 : memref<1x32x80xf32, #tpu.memory_space<hbm>>)
    %dma_wait3A_109 = arith.constant 0 : i32
    %dma_wait3A_110 = tpu.memref_slice %arg6[%add3A, %dma_wait3A_109] : memref<32x32xf32, #tpu.memory_space<hbm>> -> memref<1x32xf32, #tpu.memory_space<hbm>>
    %dma_wait3A_111 = arith.constant 0 : i32
    %dma_wait3A_112 = tpu.memref_slice %arg6[%add3A, %dma_wait3A_111] : memref<32x32xf32, #tpu.memory_space<hbm>> -> memref<1x32xf32, #tpu.memory_space<hbm>>
    tpu.wait_dma2 semaphore(%arg19 : memref<!tpu.dma_semaphore, #tpu.memory_space<semaphore_mem>>) src(%arg16 : memref<1x32xf32, #tpu.memory_space<vmem>>) dst(%dma_wait3A_112 : memref<1x32xf32, #tpu.memory_space<hbm>>)
    return
  }
}

</mosaic_0001>

<sc_bundles>
// kernel: kernel.3.cloned.1.call-start
scs
__scs_entry_jumppad:
0x0: {  	(pc) =	sbr.rel $0x88, $3  }
0x1: {  	(tag) =	ssettag $0x0;
	lr =	simm.s32 $0x1  }
0x2: {  	[smem:$0x3F9F] =	sst lr;
	_ =	strace $0xD0000000  }
0x3: {  	_ = 	snop  }
0x4: {  	_ = 	snop  }
0x5: {  	_ = 	snop  }
0x6: {  	_ = 	snop  }
0x7: {  	_ = 	snop  }
__scs_overlays_trampoline_lowered:
0x8: {  	[smem:$0x3FAE] =	sst s0  }
0x9: {  	[smem:$0x3FAF] =	sst s1  }
0xa: {  	[smem:$0x3FB0] =	sst s2  }
0xb: {  	[smem:$0x3FB1] =	sst s3  }
0xc: {  	[smem:$0x3FB2] =	sst s4  }
0xd: {  	[smem:$0x3FB3] =	sst s5  }
0xe: {  	[smem:$0x3FB4] =	sst s6  }
0xf: {  	[smem:$0x3FB5] =	sst s7  }
0x10: {  	[smem:$0x3FB6] =	sst s8  }
0x11: {  	[smem:$0x3FB7] =	sst s9;
	s0 =	simm.s32 @!p0 $0x0  }
0x12: {  	s1 =	sld [smem:$0x3F9D];
	s0 =	simm.s32 @p0 $0x1  }
0x13: {  	[smem:$0x3FB8] =	sst s0;
	s0 =	simm.s32 @!p1 $0x0  }
0x14: {  	s2 =	sld [smem:$0x3F9C];
	s0 =	simm.s32 @p1 $0x1  }
0x15: {  	[smem:$0x3FB9] =	sst s0;
	s0 =	simm.s32 @!p2 $0x0  }
0x16: {  	s3 =	sld [smem:$0x3FDB];
	s0 =	simm.s32 @p2 $0x1  }
0x17: {  	s4 =	simm.s32 $0x1BF5;
	[smem:$0x3FBB] =	sst s0  }
0x18: {  	s0 =	sld [smem:$0x3F9E];
	_ =	swait.ge [sflag:s4], $0x0  }
0x19: {  	s7 =	sld [smem:$0x3F9F]  }
0x1a: {  	s8 =	sadd.s32 $0xFFFFE003, lr  }
0x1b: {  	s9 =	sadd.s32 $0xFFFFFEF7, lr;
	s5 =	simm.s32 $0xFFFFFFFF;
	p2 =	slt.u32 s8, $0xFFFFF086  }
0x1c: {  	p1 =	slt.u32 s9, $0xF7A;
	s5 =	simm.s32 @!p2 $0x0  }
0x1d: {  	s5 =	simm.s32 @p1 $0x1;
	p0 =	seq.s32 s7, s2  }
0x1e: {  	s7 =	smul.u32 @!p0 $0xF7A, s2;
	p2 =	seq.s32 @!p0 s5, $0x0  }
0x1f: {  	s9 =	smul.u32 $0xF7A, s1;
	s8 =	simm.s32 @!p0 $0x1BF5;
	p2 =	por !p2, p0  }
0x20: {  	[sflag:s8] =	ssyncset.s32 @!p0 $0xFFFFF086;
	s6 =	sadd.s32 @!p0 s3, s7;
	s7 =	simm.s32 @!p0 $0x108  }
0x21: {  	s3 =	sadd.s32 s3, s9;
	s6 =	sadd.s32 @!p0 $0x88, s6;
	s7 =	simm.s32 @p2 $0x1082  }
0x22: {  	[simem:s7], [sflag:s8] =	dma.local @!p0 [hbm:s6], $0xF7A  }
0x23: {  	s9 =	sor.u32 $0xD0000000, s2;
	s6 =	simm.s32 $0x108;
	_ =	swait.ge @!p0 [sflag:s8], $0x0  }
0x24: {  	s3 =	sadd.s32 $0x88, s3;
	s6 =	simm.s32 @!p1 $0x1082;
	[sflag:s4] =	ssyncset.s32 $0xFFFFF086  }
0x25: {  	[simem:s6], [sflag:s4] =	dma.local [hbm:s3], $0xF7A  }
0x26: {  	[smem:$0x3F9F] =	sst s1;
	(tag) =	ssettag s2;
	_ =	strace s9  }
0x27: {  	s1 =	sld [smem:$0x3FAF]  }
0x28: {  	s2 =	sld [smem:$0x3FB0]  }
0x29: {  	s4 =	sld [smem:$0x3FB2]  }
0x2a: {  	p0 =	seq.s32 s5, $0x0;
	s5 =	sld [smem:$0x3FB3]  }
0x2b: {  	s6 =	sld [smem:$0x3FB4]  }
0x2c: {  	s7 =	sld [smem:$0x3FB5]  }
0x2d: {  	s3 =	simm.s32 $0x108;
	s8 =	sld [smem:$0x3FB6]  }
0x2e: {  	s3 =	simm.s32 @!p0 $0x1082;
	s9 =	sld [smem:$0x3FB7]  }
0x2f: {  	lr =	sadd.s32 s0, s3;
	s0 =	sld [smem:$0x3FAE]  }
0x30: {  	s3 =	sld [smem:$0x3FB1]  }
0x31: {  	[smem:$0x3FBA] =	sst s10  }
0x32: {  	s10 =	sld [smem:$0x3FB8];
	_ =	sdelay $0x3  }
0x33: {  	p0 =	seq.s32 s10, $0x1;
	s10 =	sld [smem:$0x3FBA];
	_ =	sdelay $0x3  }
0x34: {  	[smem:$0x3FBA] =	sst s10  }
0x35: {  	s10 =	sld [smem:$0x3FB9];
	_ =	sdelay $0x3  }
0x36: {  	p1 =	seq.s32 s10, $0x1;
	s10 =	sld [smem:$0x3FBA];
	_ =	sdelay $0x3  }
0x37: {  	[smem:$0x3FBA] =	sst s10  }
0x38: {  	s10 =	sld [smem:$0x3FBB]  }
0x39: {  	_ = 	snop;
	(pc) =	sbr.ind lr, $3  }
0x3a: {  	_ = 	snop  }
0x3b: {  	_ = 	snop  }
0x3c: {  	p2 =	seq.s32 s10, $0x1;
	s10 =	sld [smem:$0x3FBA]  }
0x3d: {  	_ =	shalt  }
0x3e: {  	_ =	shalt  }
0x3f: {  	_ =	shalt  }
0x40: {  	_ =	shalt  }
0x41: {  	_ =	shalt  }
0x42: {  	_ =	shalt  }
0x43: {  	_ =	shalt  }
0x44: {  	_ =	shalt  }
0x45: {  	_ =	shalt  }
0x46: {  	_ =	shalt  }
0x47: {  	_ =	shalt  }
0x48: {  	_ =	shalt  }
0x49: {  	_ =	shalt  }
0x4a: {  	_ =	shalt  }
0x4b: {  	_ =	shalt  }
0x4c: {  	_ =	shalt  }
0x4d: {  	_ =	shalt  }
0x4e: {  	_ =	shalt  }
0x4f: {  	_ =	shalt  }
0x50: {  	_ =	shalt  }
0x51: {  	_ =	shalt  }
0x52: {  	_ =	shalt  }
0x53: {  	_ =	shalt  }
0x54: {  	_ =	shalt  }
0x55: {  	_ =	shalt  }
0x56: {  	_ =	shalt  }
0x57: {  	_ =	shalt  }
0x58: {  	_ =	shalt  }
0x59: {  	_ =	shalt  }
0x5a: {  	_ =	shalt  }
0x5b: {  	_ =	shalt  }
0x5c: {  	_ =	shalt  }
0x5d: {  	_ =	shalt  }
0x5e: {  	_ =	shalt  }
0x5f: {  	_ =	shalt  }
0x60: {  	_ =	shalt  }
0x61: {  	_ =	shalt  }
0x62: {  	_ =	shalt  }
0x63: {  	_ =	shalt  }
0x64: {  	_ =	shalt  }
0x65: {  	_ =	shalt  }
0x66: {  	_ =	shalt  }
0x67: {  	_ =	shalt  }
0x68: {  	_ =	shalt  }
0x69: {  	_ =	shalt  }
0x6a: {  	_ =	shalt  }
0x6b: {  	_ =	shalt  }
0x6c: {  	_ =	shalt  }
0x6d: {  	_ =	shalt  }
0x6e: {  	_ =	shalt  }
0x6f: {  	_ =	shalt  }
0x70: {  	_ =	shalt  }
0x71: {  	_ =	shalt  }
0x72: {  	_ =	shalt  }
0x73: {  	_ =	shalt  }
0x74: {  	_ =	shalt  }
0x75: {  	_ =	shalt  }
0x76: {  	_ =	shalt  }
0x77: {  	_ =	shalt  }
0x78: {  	_ =	shalt  }
0x79: {  	_ =	shalt  }
0x7a: {  	_ =	shalt  }
0x7b: {  	_ =	shalt  }
0x7c: {  	_ =	shalt  }
0x7d: {  	_ =	shalt  }
0x7e: {  	_ =	shalt  }
0x7f: {  	_ =	shalt  }
0x80: {  	_ =	shalt  }
0x81: {  	_ =	shalt  }
0x82: {  	_ =	shalt  }
0x83: {  	_ =	shalt  }
0x84: {  	_ =	shalt  }
0x85: {  	_ =	shalt  }
0x86: {  	_ =	shalt  }
0x87: {  	_ =	shalt  }
.Lfunc_end0:
.L_simem_size_0:
called_computation_lowered:
.L_overlay_start_0:
0x88: {  	s2 =	sld [smem:$0x3FD9]  }
0x89: {  	s3 =	sld [smem:$0x3FFE];
	_ =	sdelay $0x1  }
0x8a: {  	s1 =	srdreg.scid  }
0x8b: {  	s0 =	sand.u32 $0x1, s1  }
0x8c: {  	s15 =	sshll.u32 s0, $0xA;
	s2 =	sadd.s32 s3, s2  }
0x8d: {  	s2 =	sadd.s32 s2, s15  }
0x8e: {  	[smem:$0x3FC6] =	sst s2  }
0x8f: {  	_ = 	snop  }
0x90: {  	s2 =	sld [smem:$0x3FD0];
	_ =	sdelay $0x2  }
0x91: {  	s16 =	simm.s32 $0xA;
	s4 =	simm.s32 $0x10  }
0x92: {  	[smem:s4], [sflag:s16] =	dma.local [hbm:s2], $0x1  }
0x93: {  	_ =	swait.eq [sflag:s16], $0x1  }
0x94: {  	s5 =	sld [smem:$0x10]  }
0x95: {  	s6 =	sld [smem:$0x12]  }
0x96: {  	s7 =	sld [smem:$0x13]  }
0x97: {  	s8 =	sld [smem:$0x15];
	[sflag:s16] =	ssyncset.done $0x0  }
0x98: {  	s9 =	sld [smem:$0x16];
	[sflag:s16] =	ssyncadd.s32 $0xFFFFFFFF  }
0x99: {  	s2 =	sadd.s32 $0x1, s2;
	s10 =	sld [smem:$0x17]  }
0x9a: {  	[smem:s4], [sflag:s16] =	dma.local [hbm:s2], $0x1  }
0x9b: {  	_ =	swait.eq [sflag:s16], $0x1  }
0x9c: {  	[sflag:s16] =	ssyncset.done $0x0  }
0x9d: {  	s17 =	sld [smem:$0x10];
	[sflag:s16] =	ssyncadd.s32 $0xFFFFFFFF  }
0x9e: {  	s18 =	sld [smem:$0x11];
	(tm) =	ssettm $0x1  }
0x9f: {  	s19 =	sld [smem:$0x3FFB];
	_ =	sdelay $0x3  }
0xa0: {  	_ =	strace s19  }
0xa1: {  	s4 =	sld [smem:$0x3FFC];
	_ =	sdelay $0x3  }
0xa2: {  	_ =	strace s4  }
0xa3: {  	s4 =	sld [smem:$0x3FFD];
	_ =	sdelay $0x3  }
0xa4: {  	_ =	strace s4  }
0xa5: {  	_ =	strace $0x8FFFFFFF  }
0xa6: {  	s20 =	sld [smem:$0x3FDB];
	_ =	sdelay $0x1  }
0xa7: {  	s11 =	simm.s32 $_scs_section_size  }
0xa8: {  	s12 =	simm.s32 $_size__tile_overlayer_lowered;
	s13 =	simm.s32 $_tile_overlayer_lowered  }
0xa9: {  	s23 =	simm.s32 $0x1BFF;
	s22 =	sshll.u32 s13, $0x1;
	s4 =	sadd.s32 s11, s20  }
0xaa: {  	s14 =	simm.s32 $0x0;
	s21 =	sshll.u32 s12, $0x1;
	s12 =	sadd.s32 s22, s4  }
0xab: {  	[timem:s14], [sflag:s23] =	dma.local [hbm:s12], s21  }
0xac: {  	_ =	swait.ge [sflag:s23], s21  }
0xad: {  	s11 =	ssub.s32 $0x0, s21;
	[sflag:s23] =	ssyncset.done $0x0  }
0xae: {  	[sflag:s23] =	ssyncadd.s32 s11;
	_ =	sdelay $0x1  }
0xaf: {  	s24 =	simm.s32 $0x1B8B  }
0xb0: {  	_ =	swait.ge [sflag:s24], $0x1  }
0xb1: {  	[sflag:s24] =	ssyncset.done $0x0  }
0xb2: {  	s25 =	simm.s32 $0x1B8E;
	[sflag:s24] =	ssyncadd.s32 $0xFFFFFFFF  }
0xb3: {  	s26 =	simm.s32 $execute0_lowered;
	[smem:$0x3FD2] =	sst s25  }
0xb4: {  	s11 =	sshll.u32 s26, $0x1;
	_ =	strace $0x80000046;
	[dreg:$0x1] =	wrdreg $0xFFFFFFFF  }
0xb5: {  	s28 =	simm.s32 $_size_execute0_lowered;
	s4 =	sadd.s32 s4, s11;
	[dreg:$0x0] =	wrdreg $0x0  }
0xb6: {  	s11 =	sshll.u32 s28, $0x1;
	[dreg:$0x2] =	wrdreg s4  }
0xb7: {  	[dreg:$0x3] =	wrdreg s11  }
0xb8: {  	[dreg:$0x4] =	wrdreg $0xC0  }
0xb9: {  	_ =	task [dreg:s14], $0x5FFFF  }
0xba: {  	[dreg:$0x1] =	wrdreg $0xFFFFFFFF  }
0xbb: {  	[dreg:$0x0] =	wrdreg $0x60  }
0xbc: {  	[dreg:$0x2] =	wrdreg s5  }
0xbd: {  	[dreg:$0x3] =	wrdreg s10  }
0xbe: {  	[dreg:$0x4] =	wrdreg s6  }
0xbf: {  	[dreg:$0x5] =	wrdreg s7  }
0xc0: {  	[dreg:$0x6] =	wrdreg s8  }
0xc1: {  	[dreg:$0x7] =	wrdreg s9  }
0xc2: {  	[dreg:$0x8] =	wrdreg s17  }
0xc3: {  	[dreg:$0x9] =	wrdreg s18  }
0xc4: {  	[dreg:$0xa] =	wrdreg $0x9  }
0xc5: {  	_ =	task.clear_ibuf [dreg:s14], $0xBFFFF;
	_ =	strace $0x90000046  }
0xc6: {  	s29 =	simm.s32 $0x9;
	_ =	strace $0x80000048  }
0xc7: {  	_ =	swait.ge [sflag:s29], $0x1  }
0xc8: {  	[sflag:s29] =	ssyncadd.s32 $0xFFFFFFFF  }
0xc9: {  	_ =	strace $0x90000048  }
0xca: {  	_ =	sfence  }
0xcb: {  	s30 =	sld [smem:$0x0];
	_ =	sdelay $0x2  }
0xcc: {  	s31 =	sshll.u32 s1, $0xD;
	s1 =	sshrl.u32 s1, $0x2  }
0xcd: {  	s3 =	sand.u32 $0x4000, s31;
	s1 =	sadd.s32 s1, s30  }
0xce: {  	s0 =	sor.u32 s3, s0;
	s1 =	sshll.u32 s1, $0x11  }
0xcf: {  	s0 =	sor.u32 s1, s0  }
0xd0: {  	s0 =	sadd.s32 $0x8F2B, s0  }
0xd1: {  	[sflag:s0] =	ssyncadd.remote.s32 $0x1  }
0xd2: {  	_ =	sfence.sel $0xFFFF  }
0xd3: {  	[dreg:$0x0] =	wrdreg $0xFFFFFFFF;
	(pc) =	sbr.abs _section_cstart, $3  }
0xd4: {  	[dreg:$0x1] =	wrdreg $0xFFFFFFFF  }
0xd5: {  	_ =	task.clear_ibuf [dreg:s14], $0x2FFFF;
	_ =	strace $0x9FFFFFFF  }
0xd6: {  	(tm) =	ssettm $0x7FFFFFFF  }
0xd7: {  	_ =	shalt  }
tec
execute0_lowered:
.L_overlay_start_1:
0x0: {  	(tag) =	ssettag $0x1  }
0x1: {  	v0 =	vlaneseq.u32  }
0x2: {  	v9 =	vimm.s32 $0x1D81;
	vm2 =	vcmask $0x300;
	vm3 =	vcmask $0x704  }
0x3: {  	vm4 =	vcmask $0xB08;
	vm5 =	vcmask $0xF0C;
	vm0 =	vcmask $0x1310  }
0x4: {  	vm1 =	vcmask $0x1714;
	v15 =	vimm.s32 $0x1D82;
	v16 =	vimm.s32 $0x1D80  }
0x5: {  	s6 =	rddreg [dreg:$0x2];
	vm11 =	vcmask $0x1B18;
	vm12 =	vcmask $0x1F1C;
	vm13 =	vcmask $0x2320  }
0x6: {  	s1 =	srdreg.scid;
	s7 =	rddreg [dreg:$0x3];
	vm14 =	vcmask $0x2724;
	vm15 =	vcmask $0x2B28;
	v17 =	vimm.f32 $0.0e+00  }
0x7: {  	s0 =	stileid.u32;
	s8 =	rddreg [dreg:$0x4];
	v18 =	vimm.s32 $0x0;
	v19 =	vimm.f32 $1.000000000e+00;
	v1 =	vmul.u32 $0x80, v0  }
0x8: {  	s9 =	rddreg [dreg:$0x5];
	s5 =	sand.u32 $0x1, s1;
	s26 =	sshll.u32 s0, $0x1;
	v10 =	vsel vm2, $0x1801, v9;
	v15 =	vsel vm2, $0x1802, v15;
	v16 =	vsel vm2, $0x1800, v16  }
0x9: {  	s10 =	rddreg [dreg:$0x6];
	s19 =	sor.u32 s5, s26;
	v11 =	vsel vm3, $0x1881, v10;
	v15 =	vsel vm3, $0x1882, v15;
	v16 =	vsel vm3, $0x1880, v16  }
0xa: {  	s11 =	rddreg [dreg:$0x7];
	v4 =	vmov s19;
	v6 =	vor.u32 $0x1, v1;
	v7 =	vor.u32 $0x2, v1  }
0xb: {  	s3 =	rddreg [dreg:$0x8];
	s4 =	simm.s32 $0x0;
	s15 =	simm.s32 $0x6400;
	v8 =	vor.u32 $0x801, v1;
	v9 =	vor.u32 $0x802, v1;
	v10 =	vor.u32 $0x800, v1  }
0xc: {  	s16 =	simm.s32 $0x7D00;
	s17 =	simm.s32 $0x7400;
	s1 =	sshll.u32 s19, $0x1;
	v12 =	vsel vm4, $0x1901, v11;
	v11 =	vor.u32 $0x1001, v1;
	v13 =	vor.u32 $0x1000, v1  }
0xd: {  	s18 =	simm.s32 $0x7D80;
	s20 =	simm.s32 $0x0;
	s28 =	sadd.s32 $0x1, s19;
	v15 =	vsel vm4, $0x1902, v15;
	v16 =	vsel vm4, $0x1900, v16;
	v2 =	vmov s1  }
0xe: {  	[smem:$0x7FF] =	sst s4;
	s5 =	ssub.s32 $0x2, s5;
	s2 =	sadd.s32 $0x2, s1;
	v5 =	vmov s28;
	v14 =	vsel vm5, $0x1981, v12;
	v12 =	vor.u32 $0x1002, v1  }
0xf: {  	p0 =	sgt.u32 s0, $0x7;
	s12 =	sshrl.u32 s5, $0x1;
	s13 =	sshll.u32 s19, $0xB;
	v15 =	vsel vm5, $0x1982, v15;
	v16 =	vsel vm5, $0x1980, v16;
	v3 =	vmov s2  }
0x10: {  	s29 =	sshll.u32 s19, $0x8;
	s30 =	sshll.u32 s19, $0x5;
	s14 =	sshll.u32 s19, $0x9;
	v14 =	vsel vm0, $0x1A01, v14;
	v15 =	vsel vm0, $0x1A02, v15;
	v16 =	vsel vm0, $0x1A00, v16  }
0x11: {  	s31 =	sshll.u32 s19, $0x4;
	p1 =	sne.s32 s19, $0x11;
	s19 =	simm.s32 $0x1;
	v14 =	vsel vm1, $0x1A81, v14;
	v15 =	vsel vm1, $0x1A82, v15;
	v16 =	vsel vm1, $0x1A80, v16  }
.Ltmp0:
0x12: {  	s1 =	rddreg [dreg:$0x0];
	s12 =	ssub.s32 s5, s12;
	v14 =	vsel vm11, $0x1B01, v14;
	v15 =	vsel vm11, $0x1B02, v15;
	v16 =	vsel vm11, $0x1B00, v16;
	(pc) =	sbr.rel .LBB2_1-.Ltmp0, $4  }
0x13: {  	s5 =	sadd.s32 s7, s13;
	s6 =	sadd.s32 s6, s30;
	s7 =	sadd.s32 s9, s14;
	v14 =	vsel vm12, $0x1B81, v14;
	v15 =	vsel vm12, $0x1B82, v15;
	v16 =	vsel vm12, $0x1B80, v16  }
0x14: {  	s8 =	sadd.s32 s8, s31;
	s9 =	sadd.s32 s11, s29;
	s10 =	sadd.s32 s10, s31;
	v14 =	vsel vm13, $0x1C01, v14;
	v15 =	vsel vm13, $0x1C02, v15;
	v16 =	vsel vm13, $0x1C00, v16  }
0x15: {  	s13 =	simm.s32 $0x2400;
	s14 =	simm.s32 $0x7C00;
	s2 =	rddreg [dreg:$0x1];
	v14 =	vsel vm14, $0x1C81, v14;
	v15 =	vsel vm14, $0x1C82, v15;
	v16 =	vsel vm14, $0x1C80, v16  }
0x16: {  	_ =	strace $0x80000047;
	s11 =	smax.u32 s12, $0x1;
	s12 =	simm.s32 $0x2;
	v14 =	vsel vm15, $0x1D01, v14;
	v15 =	vsel vm15, $0x1D02, v15;
	v16 =	vsel vm15, $0x1D00, v16  }
.LBB2_26:
0x17: {  	[hbm4b:s9+s4] =	stream.linear.scatter [tilespmem:s17], [sflag:$0x2], $0x800, $0x38;
	[tilespmem:$0x8000] =	vst v63  }
0x18: {  	_ =	swait.ge [sflag:s12], $0x800  }
0x19: {  	[sflag:s12] =	ssyncset.done $0x0  }
0x1a: {  	[sflag:s12] =	ssyncadd.s32 $0xFFFFF800  }
0x1b: {  	[hbm4b:s10+s4] =	stream.linear.scatter [tilespmem:s18], [sflag:$0x2], $0x80, $0x38;
	[tilespmem:$0x8000] =	vst v63  }
0x1c: {  	_ =	swait.ge [sflag:s12], $0x80  }
0x1d: {  	[sflag:s12] =	ssyncset.done $0x0  }
0x1e: {  	[sflag:s12] =	ssyncadd.s32 $0xFFFFFF80  }
.LBB2_27:
0x1f: {  	v20 =	vld @!p1 [tilespmem:$0x2000]  }
0x20: {  	v21 =	vld @!p1 [tilespmem:$0x2080]  }
0x21: {  	v22 =	vld @!p1 [tilespmem:$0x2100]  }
0x22: {  	v23 =	vld @!p1 [tilespmem:$0x2180]  }
0x23: {  	v24 =	vld @!p1 [tilespmem:$0x2010]  }
0x24: {  	v25 =	vld @!p1 [tilespmem:$0x2090];
	v20 =	vcvt.s32.f32 @!p1 v20  }
0x25: {  	v26 =	vld @!p1 [tilespmem:$0x2110];
	v21 =	vcvt.s32.f32 @!p1 v21  }
0x26: {  	[tilespmem:$0x7E00] =	vst @!p1 v20;
	v20 =	vcvt.s32.f32 @!p1 v22;
	v22 =	vld @!p1 [tilespmem:$0x2190]  }
0x27: {  	[tilespmem:$0x7E80] =	vst @!p1 v21;
	v21 =	vcvt.s32.f32 @!p1 v23;
	v23 =	vld @!p1 [tilespmem:$0x2020]  }
0x28: {  	[tilespmem:$0x7F00] =	vst @!p1 v20;
	v20 =	vcvt.s32.f32 @!p1 v24;
	v24 =	vld @!p1 [tilespmem:$0x20A0]  }
0x29: {  	[tilespmem:$0x7F80] =	vst @!p1 v21;
	v21 =	vcvt.s32.f32 @!p1 v25;
	v25 =	vld @!p1 [tilespmem:$0x2120]  }
0x2a: {  	[tilespmem:$0x7E10] =	vst @!p1 v20;
	v20 =	vcvt.s32.f32 @!p1 v26;
	v26 =	vld @!p1 [tilespmem:$0x21A0]  }
0x2b: {  	[tilespmem:$0x7E90] =	vst @!p1 v21;
	v21 =	vcvt.s32.f32 @!p1 v22;
	v22 =	vld @!p1 [tilespmem:$0x2030]  }
0x2c: {  	[tilespmem:$0x7F10] =	vst @!p1 v20;
	v20 =	vcvt.s32.f32 @!p1 v23;
	v23 =	vld @!p1 [tilespmem:$0x20B0]  }
0x2d: {  	[tilespmem:$0x7F90] =	vst @!p1 v21;
	v21 =	vcvt.s32.f32 @!p1 v24;
	v24 =	vld @!p1 [tilespmem:$0x2130]  }
0x2e: {  	[tilespmem:$0x7E20] =	vst @!p1 v20;
	v20 =	vcvt.s32.f32 @!p1 v25;
	v25 =	vld @!p1 [tilespmem:$0x21B0]  }
0x2f: {  	[tilespmem:$0x7EA0] =	vst @!p1 v21;
	v21 =	vcvt.s32.f32 @!p1 v26  }
0x30: {  	[tilespmem:$0x7F20] =	vst @!p1 v20;
	v20 =	vcvt.s32.f32 @!p1 v22  }
0x31: {  	[tilespmem:$0x7FA0] =	vst @!p1 v21;
	v21 =	vcvt.s32.f32 @!p1 v23  }
0x32: {  	[tilespmem:$0x7E30] =	vst @!p1 v20;
	v20 =	vcvt.s32.f32 @!p1 v24  }
0x33: {  	[tilespmem:$0x7EB0] =	vst @!p1 v21;
	v21 =	vcvt.s32.f32 @!p1 v25  }
0x34: {  	[tilespmem:$0x7F30] =	vst @!p1 v20  }
0x35: {  	s21 =	simm.s32 @!p1 $0x0;
	s22 =	simm.s32 @!p1 $0x7E00;
	[tilespmem:$0x7FB0] =	vst @!p1 v21  }
0x36: {  	[hbm4b:s2+s21] =	stream.linear.scatter @!p1 [tilespmem:s22], [sflag:$0x2], $0x200, $0x38;
	[tilespmem:$0x8000] =	vst v63  }
0x37: {  	s21 =	simm.s32 @!p1 $0x2  }
0x38: {  	_ =	swait.ge @!p1 [sflag:s21], $0x200  }
0x39: {  	[sflag:s21] =	ssyncset.done @!p1 $0x0  }
0x3a: {  	[sflag:s21] =	ssyncadd.s32 @!p1 $0xFFFFFE00  }
0x3b: {  	_ =	swait.ge [sflag:s19], $0x4000  }
0x3c: {  	[sflag:s19] =	ssyncset.done $0x0  }
0x3d: {  	[sflag:s19] =	ssyncadd.s32 $0xFFFFC000  }
0x3e: {  	_ =	swait.ge [sflag:s19], $0x100  }
0x3f: {  	[sflag:s19] =	ssyncset.done $0x0  }
0x40: {  	s20 =	sadd.s32 $0x1, s20;
	[sflag:s19] =	ssyncadd.s32 $0xFFFFFF00  }
0x41: {  	p2 =	sne.s32 s20, s11;
	_ =	swait.ge [sflag:s19], $0x1000  }
.Ltmp1:
0x42: {  	[sflag:s19] =	ssyncset.done $0x0;
	(pc) =	sbr.rel @!p2 .LBB2_28-.Ltmp1, $4  }
0x43: {  	[sflag:s19] =	ssyncadd.s32 $0xFFFFF000  }
0x44: {  	_ =	swait.ge [sflag:s19], $0x80  }
0x45: {  	[sflag:s19] =	ssyncset.done $0x0  }
0x46: {  	[sflag:s19] =	ssyncadd.s32 $0xFFFFFF80  }
.LBB2_1:
0x47: {  	[tilespmem:s4], [sflag:$0x2] =	stream.linear.gather [hbm4b:s1+s4], $0x1E00, $0x38;
	[tilespmem:$0x8000] =	vst v63  }
0x48: {  	_ =	swait.ge [sflag:s12], $0x1E00  }
0x49: {  	[sflag:s12] =	ssyncset.done $0x0  }
0x4a: {  	[sflag:s12] =	ssyncadd.s32 $0xFFFFE200  }
0x4b: {  	v20 =	vld.idx.msk [tilespmem:v6+s4+$0x0], $0xffff  }
0x4c: {  	v21 =	vld.idx.msk [tilespmem:v7+s4+$0x0], $0xffff;
	_ =	sdelay $0x3  }
0x4d: {  	v20 =	vmul.f32 $1.250000000e-01, v20  }
0x4e: {  	v21 =	vmul.f32 $1.250000000e-01, v21  }
0x4f: {  	v20 =	vtrunc.f32 v20  }
0x50: {  	v21 =	vtrunc.f32 v21;
	v20 =	vcvt.f32.s32 v20  }
0x51: {  	v21 =	vcvt.f32.s32 v21  }
0x52: {  	[tilespmem:$0x2000] =	vst v20  }
0x53: {  	v22 =	vshrl.u32 v20, $0x4;
	[tilespmem:$0x2080] =	vst v21  }
0x54: {  	v23 =	vshrl.u32 v21, $0x4;
	[tilespmem:$0x2100] =	vst v22  }
0x55: {  	v20 =	vshrl.u32 v20, $0x9;
	[tilespmem:$0x2180] =	vst v23  }
0x56: {  	[tilespmem:$0x2200] =	vst v20;
	v20 =	vshrl.u32 v21, $0x9  }
0x57: {  	[tilespmem:$0x2280] =	vst v20  }
0x58: {  	v20 =	vld.idx.msk [tilespmem:v1+s4+$0x0], $0xffff;
	_ =	sdelay $0x4  }
0x59: {  	v20 =	vtrunc.f32 v20  }
0x5a: {  	v20 =	vcvt.f32.s32 v20;
	_ =	sdelay $0x1  }
0x5b: {  	[tilespmem:$0x2300] =	vst v20  }
0x5c: {  	v20 =	vld.idx.msk [tilespmem:v8+s4+$0x0], $0xffff  }
0x5d: {  	v55 =	vld.idx.msk [tilespmem:v9+s4+$0x0], $0xffff;
	_ =	sdelay $0x3  }
0x5e: {  	v20 =	vmul.f32 $1.250000000e-01, v20  }
0x5f: {  	v21 =	vmul.f32 $1.250000000e-01, v55  }
0x60: {  	v20 =	vtrunc.f32 v20  }
0x61: {  	v21 =	vtrunc.f32 v21;
	v20 =	vcvt.f32.s32 v20  }
0x62: {  	v21 =	vcvt.f32.s32 v21  }
0x63: {  	[tilespmem:$0x2010] =	vst v20  }
0x64: {  	v56 =	vshrl.u32 v20, $0x4;
	[tilespmem:$0x2090] =	vst v21  }
0x65: {  	v57 =	vshrl.u32 v21, $0x4;
	[tilespmem:$0x2110] =	vst v56  }
0x66: {  	v20 =	vshrl.u32 v20, $0x9;
	[tilespmem:$0x2190] =	vst v57  }
0x67: {  	[tilespmem:$0x2210] =	vst v20;
	v20 =	vshrl.u32 v21, $0x9  }
0x68: {  	[tilespmem:$0x2290] =	vst v20  }
0x69: {  	v20 =	vld.idx.msk [tilespmem:v10+s4+$0x0], $0xffff;
	_ =	sdelay $0x4  }
0x6a: {  	v20 =	vtrunc.f32 v20  }
0x6b: {  	v20 =	vcvt.f32.s32 v20;
	_ =	sdelay $0x1  }
0x6c: {  	[tilespmem:$0x2310] =	vst v20  }
0x6d: {  	v20 =	vld.idx.msk [tilespmem:v11+s4+$0x0], $0xffff  }
0x6e: {  	v58 =	vld.idx.msk [tilespmem:v12+s4+$0x0], $0xffff;
	_ =	sdelay $0x3  }
0x6f: {  	v20 =	vmul.f32 $1.250000000e-01, v20  }
0x70: {  	v21 =	vmul.f32 $1.250000000e-01, v58  }
0x71: {  	v20 =	vtrunc.f32 v20  }
0x72: {  	v21 =	vtrunc.f32 v21;
	v20 =	vcvt.f32.s32 v20  }
0x73: {  	v21 =	vcvt.f32.s32 v21  }
0x74: {  	[tilespmem:$0x2020] =	vst v20  }
0x75: {  	v59 =	vshrl.u32 v20, $0x4;
	[tilespmem:$0x20A0] =	vst v21  }
0x76: {  	v60 =	vshrl.u32 v21, $0x4;
	[tilespmem:$0x2120] =	vst v59  }
0x77: {  	v20 =	vshrl.u32 v20, $0x9;
	[tilespmem:$0x21A0] =	vst v60  }
0x78: {  	[tilespmem:$0x2220] =	vst v20;
	v20 =	vshrl.u32 v21, $0x9  }
0x79: {  	[tilespmem:$0x22A0] =	vst v20  }
0x7a: {  	v20 =	vld.idx.msk [tilespmem:v13+s4+$0x0], $0xffff;
	_ =	sdelay $0x4  }
0x7b: {  	v20 =	vtrunc.f32 v20  }
0x7c: {  	v20 =	vcvt.f32.s32 v20;
	_ =	sdelay $0x1  }
0x7d: {  	[tilespmem:$0x2320] =	vst v20  }
0x7e: {  	v20 =	vld.idx.msk [tilespmem:v14+s4+$0x0], $0xffff  }
0x7f: {  	v61 =	vld.idx.msk [tilespmem:v15+s4+$0x0], $0xffff;
	_ =	sdelay $0x3  }
0x80: {  	v20 =	vmul.f32 $1.250000000e-01, v20  }
0x81: {  	v21 =	vmul.f32 $1.250000000e-01, v61  }
0x82: {  	v20 =	vtrunc.f32 v20  }
0x83: {  	v21 =	vtrunc.f32 v21;
	v20 =	vcvt.f32.s32 v20  }
0x84: {  	v21 =	vcvt.f32.s32 v21  }
0x85: {  	[tilespmem:$0x2030] =	vst v20  }
0x86: {  	v62 =	vshrl.u32 v20, $0x4;
	[tilespmem:$0x20B0] =	vst v21  }
0x87: {  	v63 =	vshrl.u32 v21, $0x4;
	[tilespmem:$0x2130] =	vst v62  }
0x88: {  	v20 =	vshrl.u32 v20, $0x9;
	[tilespmem:$0x21B0] =	vst v63  }
0x89: {  	[tilespmem:$0x2230] =	vst v20;
	v20 =	vshrl.u32 v21, $0x9  }
0x8a: {  	[tilespmem:$0x22B0] =	vst v20  }
0x8b: {  	v20 =	vld.idx.msk [tilespmem:v16+s4+$0x0], $0xffff;
	_ =	sdelay $0x4  }
0x8c: {  	v20 =	vtrunc.f32 v20  }
0x8d: {  	v20 =	vcvt.f32.s32 v20;
	_ =	sdelay $0x1  }
0x8e: {  	s22 =	simm.s32 $0x200;
	s21 =	simm.s32 $0x0;
	[tilespmem:$0x2330] =	vst v20  }
.LBB2_2:
0x8f: {  	p2 =	sne.s32 s22, $0x7E00;
	[tilespmem:s21+$0x2440] =	vst v17;
	s23 =	smov.u32 s22;
	s22 =	sadd.s32 $0x200, s22  }
.Ltmp2:
0x90: {  	[tilespmem:s21+$0x2430] =	vst v17;
	(pc) =	sbr.rel @p2 .LBB2_2-.Ltmp2, $4  }
0x91: {  	[tilespmem:s21+$0x2420] =	vst v17  }
0x92: {  	[tilespmem:s21+$0x2400] =	vst v17  }
0x93: {  	[tilespmem:s21+$0x2410] =	vst v17  }
0x94: {  	s21 =	sshra.s32 s23, $0x2  }
0x95: {  	[tilespmem:s21+$0x2440] =	vst v17  }
0x96: {  	[tilespmem:s21+$0x2430] =	vst v17  }
0x97: {  	[tilespmem:s21+$0x2420] =	vst v17  }
0x98: {  	[tilespmem:s21+$0x2400] =	vst v17  }
0x99: {  	[tilespmem:s21+$0x2410] =	vst v17;
	s22 =	simm.s32 $0x200;
	s21 =	simm.s32 $0x0  }
.LBB2_4:
0x9a: {  	p2 =	sne.s32 s22, $0x7E00;
	[tilespmem:s21+$0x4440] =	vst v17;
	s23 =	smov.u32 s22;
	s22 =	sadd.s32 $0x200, s22  }
.Ltmp3:
0x9b: {  	[tilespmem:s21+$0x4430] =	vst v17;
	(pc) =	sbr.rel @p2 .LBB2_4-.Ltmp3, $4  }
0x9c: {  	[tilespmem:s21+$0x4420] =	vst v17  }
0x9d: {  	[tilespmem:s21+$0x4400] =	vst v17  }
0x9e: {  	[tilespmem:s21+$0x4410] =	vst v17  }
0x9f: {  	s21 =	sshra.s32 s23, $0x2  }
0xa0: {  	[tilespmem:s21+$0x4440] =	vst v17  }
0xa1: {  	[tilespmem:s21+$0x4430] =	vst v17  }
0xa2: {  	[tilespmem:s21+$0x4420] =	vst v17  }
0xa3: {  	[tilespmem:s21+$0x4400] =	vst v17  }
0xa4: {  	[tilespmem:s21+$0x4410] =	vst v17  }
0xa5: {  	[tilespmem:$0x7C00] =	vst v17  }
0xa6: {  	[tilespmem:$0x7C10] =	vst v17  }
0xa7: {  	[tilespmem:$0x7C20] =	vst v17  }
.Ltmp4:
0xa8: {  	[tilespmem:$0x7C30] =	vst v17;
	(pc) =	sbr.rel .LBB2_6-.Ltmp4, $4  }
0xa9: {  	[tilespmem:$0x7C80] =	vst v17  }
0xaa: {  	[tilespmem:$0x7C90] =	vst v17  }
0xab: {  	[tilespmem:$0x7CA0] =	vst v17  }
0xac: {  	s21 =	simm.s32 $0x0;
	[tilespmem:$0x7CB0] =	vst v17  }
.LBB2_10:
0xad: {  	s21 =	sadd.s32 $0x1, s21  }
0xae: {  	p2 =	sne.s32 s21, $0x4  }
.Ltmp5:
0xaf: {  	_ = 	snop;
	(pc) =	sbr.rel @!p2 .LBB2_11-.Ltmp5, $1  }
0xb0: {  	_ =	sdelay $0x3  }
.LBB2_6:
0xb1: {  	s22 =	sshll.u32 s21, $0x4  }
0xb2: {  	v20 =	vld [tilespmem:s22+$0x2000];
	_ =	sdelay $0x2  }
0xb3: {  	s23 =	ssub.s32 $0x3C, s22  }
0xb4: {  	v21 =	vmov s23  }
0xb5: {  	vm0 =	vgt.u32 v21, v0;
	vm1 =	vge.s32 v20, v2  }
0xb6: {  	vm0 =	vmand vm0, vm1;
	vm1 =	vlt.s32 v20, v3  }
0xb7: {  	vm0 =	vmand vm1, vm0  }
0xb8: {  	v21 =	vsel vm0, $0x3F800000, v17  }
0xb9: {  	(xrf0) =	vmax.scan.msk.f32 $0xffff, v21;
	_ =	sdelay $0x5  }
0xba: {  	v21, _, _ =	vpop (xrf0)  }
0xbb: {  	(v2sf) =	vpush v21, $0xF;
	_ =	sdelay $0xe  }
0xbc: {  	s31 =	spop (v2sf)  }
0xbd: {  	p2 =	sgt.f32 s31, $0.0e+00  }
.Ltmp6:
0xbe: {  	_ = 	snop;
	(pc) =	sbr.rel @!p2 .LBB2_10-.Ltmp6, $1  }
0xbf: {  	_ =	sdelay $0x3  }
0xc0: {  	v21 =	vld [tilespmem:s22+$0x2080]  }
0xc1: {  	v22 =	vld [tilespmem:s22+$0x2300];
	_ =	sdelay $0x1  }
0xc2: {  	v20 =	vsub.s32 v20, v2  }
0xc3: {  	vm1 =	vgt.s32 v20, $0x0  }
0xc4: {  	v20 =	vsel vm1, $0x2000, v18  }
0xc5: {  	s31 =	simm.s32 $0x0;
	v23 =	vshll.u32 v21, $0x7;
	v24 =	vand.u32 $0xFFFFFF80, v22;
	v22 =	vand.u32 $0x7F, v22  }
0xc6: {  	v63 =	vand.u32 $0xFFFFFF80, v21;
	v20 =	vadd.s32 v20, v23;
	v23 =	vmov s31  }
0xc7: {  	v21 =	vand.u32 $0x7F, v21;
	vm2 =	veq.s32 v23, v0;
	v23 =	vsel vm1, $0x80, v18  }
0xc8: {  	v20 =	vadd.s32 v24, v20;
	v23 =	vadd.s32 v23, v63;
	vm1 =	vmand vm0, vm2  }
0xc9: {  	s22 =	simm.s32 $0x1;
	v20 =	vor.u32 v22, v20;
	v21 =	vor.u32 v21, v23;
	vm2 =	vmmov vm1  }
.LBB2_8:
0xca: {  	p2 =	sne.s32 s22, $0xF  }
.Ltmp7:
0xcb: {  	_ = 	snop;
	(pc) =	sbr.rel @p2 .LBB2_8-.Ltmp7, $4  }
0xcc: {  	v22 =	vmov s22  }
0xcd: {  	vm3 =	veq.s32 v22, v0  }
0xce: {  	[tilespmem:v20+s13+$0x0] =	vst.idx.add.f32.msk vm1, v19;
	vm1 =	vmand vm0, vm3  }
0xcf: {  	s22 =	sadd.s32 $0x1, s22;
	[tilespmem:v21+s14+$0x0] =	vst.idx.add.f32.msk vm2, v19;
	vm2 =	vmmov vm1  }
0xd0: {  	_ =	sdelay $0x1  }
.Ltmp8:
0xd1: {  	_ = 	snop;
	(pc) =	sbr.rel .LBB2_10-.Ltmp8, $3  }
0xd2: {  	_ =	sdelay $0x1  }
0xd3: {  	[tilespmem:v20+s13+$0x0] =	vst.idx.add.f32.msk vm1, v19  }
0xd4: {  	[tilespmem:v21+s14+$0x0] =	vst.idx.add.f32.msk vm2, v19  }
.LBB2_11:
0xd5: {  	s21 =	simm.s32 $0x0  }
0xd6: {  	[hbm4b:s5+s21] =	stream.linear.scatter [tilespmem:s13], [sflag:$0x1], $0x4000, $0x38;
	[tilespmem:$0x8000] =	vst v63  }
0xd7: {  	_ = 	snop  }
0xd8: {  	[hbm4b:s6+s21] =	stream.linear.scatter [tilespmem:s14], [sflag:$0x1], $0x100, $0x38;
	[tilespmem:$0x8000] =	vst v63  }
0xd9: {  	s22 =	simm.s32 $0x200;
	s21 =	simm.s32 $0x0  }
.LBB2_12:
0xda: {  	p2 =	sne.s32 s22, $0x3E00;
	[tilespmem:s21+$0x6440] =	vst v17;
	s23 =	smov.u32 s22;
	s22 =	sadd.s32 $0x200, s22  }
.Ltmp9:
0xdb: {  	[tilespmem:s21+$0x6430] =	vst v17;
	(pc) =	sbr.rel @p2 .LBB2_12-.Ltmp9, $4  }
0xdc: {  	[tilespmem:s21+$0x6420] =	vst v17  }
0xdd: {  	[tilespmem:s21+$0x6400] =	vst v17  }
0xde: {  	[tilespmem:s21+$0x6410] =	vst v17  }
0xdf: {  	s21 =	sshra.s32 s23, $0x2  }
0xe0: {  	[tilespmem:s21+$0x6440] =	vst v17  }
0xe1: {  	[tilespmem:s21+$0x6430] =	vst v17  }
.Ltmp10:
0xe2: {  	[tilespmem:s21+$0x6420] =	vst v17;
	(pc) =	sbr.rel .LBB2_14-.Ltmp10, $4  }
0xe3: {  	[tilespmem:s21+$0x6400] =	vst v17  }
0xe4: {  	[tilespmem:s21+$0x6410] =	vst v17  }
0xe5: {  	[tilespmem:$0x7D00] =	vst v17  }
0xe6: {  	s21 =	simm.s32 $0x0;
	[tilespmem:$0x7D10] =	vst v17  }
.LBB2_18:
0xe7: {  	s21 =	sadd.s32 $0x1, s21  }
0xe8: {  	p2 =	sne.s32 s21, $0x4  }
.Ltmp11:
0xe9: {  	_ = 	snop;
	(pc) =	sbr.rel @!p2 .LBB2_19-.Ltmp11, $1  }
0xea: {  	_ =	sdelay $0x3  }
.LBB2_14:
0xeb: {  	s22 =	sshll.u32 s21, $0x4  }
0xec: {  	v20 =	vld [tilespmem:s22+$0x2100];
	_ =	sdelay $0x2  }
0xed: {  	s23 =	ssub.s32 $0x3C, s22  }
0xee: {  	v21 =	vmov s23  }
0xef: {  	vm0 =	vgt.u32 v21, v0;
	vm1 =	vge.s32 v20, v4  }
0xf0: {  	vm0 =	vmand vm0, vm1;
	vm1 =	vlt.s32 v20, v5  }
0xf1: {  	vm0 =	vmand vm1, vm0  }
0xf2: {  	v20 =	vsel vm0, $0x3F800000, v17  }
0xf3: {  	(xrf0) =	vmax.scan.msk.f32 $0xffff, v20;
	_ =	sdelay $0x5  }
0xf4: {  	v20, _, _ =	vpop (xrf0)  }
0xf5: {  	(v2sf) =	vpush v20, $0xF;
	_ =	sdelay $0xe  }
0xf6: {  	s31 =	spop (v2sf)  }
0xf7: {  	p2 =	sgt.f32 s31, $0.0e+00  }
.Ltmp12:
0xf8: {  	_ = 	snop;
	(pc) =	sbr.rel @!p2 .LBB2_18-.Ltmp12, $1  }
0xf9: {  	_ =	sdelay $0x3  }
0xfa: {  	v20 =	vld [tilespmem:s22+$0x2180]  }
0xfb: {  	v21 =	vld [tilespmem:s22+$0x2300];
	_ =	sdelay $0x2  }
0xfc: {  	s31 =	simm.s32 $0x0  }
0xfd: {  	v22 =	vmov s31  }
0xfe: {  	vm1 =	veq.s32 v22, v0;
	v23 =	vand.u32 $0xFFFFFF80, v21;
	v24 =	vshll.u32 v20, $0x7  }
0xff: {  	vm1 =	vmand vm0, vm1;
	v21 =	vand.u32 $0x7F, v21;
	v22 =	vadd.s32 v24, v23  }
0x100: {  	s22 =	simm.s32 $0x1;
	vm2 =	vmmov vm1;
	v21 =	vor.u32 v21, v22  }
.LBB2_16:
0x101: {  	p2 =	sne.s32 s22, $0xF  }
.Ltmp13:
0x102: {  	_ = 	snop;
	(pc) =	sbr.rel @p2 .LBB2_16-.Ltmp13, $4  }
0x103: {  	v22 =	vmov s22  }
0x104: {  	vm3 =	veq.s32 v22, v0  }
0x105: {  	[tilespmem:v21+s15+$0x0] =	vst.idx.add.f32.msk vm1, v19;
	vm1 =	vmand vm0, vm3  }
0x106: {  	s22 =	sadd.s32 $0x1, s22;
	[tilespmem:v20+s16+$0x0] =	vst.idx.add.f32.msk vm2, v19;
	vm2 =	vmmov vm1  }
0x107: {  	_ =	sdelay $0x1  }
.Ltmp14:
0x108: {  	_ = 	snop;
	(pc) =	sbr.rel .LBB2_18-.Ltmp14, $3  }
0x109: {  	_ =	sdelay $0x1  }
0x10a: {  	[tilespmem:v21+s15+$0x0] =	vst.idx.add.f32.msk vm1, v19  }
0x10b: {  	[tilespmem:v20+s16+$0x0] =	vst.idx.add.f32.msk vm2, v19  }
.LBB2_19:
.Ltmp15:
0x10c: {  	(pc) =	sbr.rel @p0 .LBB2_27-.Ltmp15, $4  }
0x10d: {  	_ = 	snop  }
0x10e: {  	[hbm4b:s7+s4] =	stream.linear.scatter [tilespmem:s15], [sflag:$0x1], $0x1000, $0x38;
	[tilespmem:$0x8000] =	vst v63  }
0x10f: {  	_ = 	snop  }
0x110: {  	[hbm4b:s8+s4] =	stream.linear.scatter [tilespmem:s16], [sflag:$0x1], $0x80, $0x38;
	[tilespmem:$0x8000] =	vst v63  }
0x111: {  	[tilespmem:$0x7400] =	vst v17  }
0x112: {  	[tilespmem:$0x7410] =	vst v17  }
0x113: {  	[tilespmem:$0x7420] =	vst v17  }
0x114: {  	[tilespmem:$0x7430] =	vst v17  }
0x115: {  	[tilespmem:$0x7440] =	vst v17  }
0x116: {  	[tilespmem:$0x7480] =	vst v17  }
0x117: {  	[tilespmem:$0x7490] =	vst v17  }
0x118: {  	[tilespmem:$0x74A0] =	vst v17  }
0x119: {  	[tilespmem:$0x74B0] =	vst v17  }
0x11a: {  	[tilespmem:$0x74C0] =	vst v17  }
0x11b: {  	[tilespmem:$0x7500] =	vst v17  }
0x11c: {  	[tilespmem:$0x7510] =	vst v17  }
0x11d: {  	[tilespmem:$0x7520] =	vst v17  }
0x11e: {  	[tilespmem:$0x7530] =	vst v17  }
0x11f: {  	[tilespmem:$0x7540] =	vst v17  }
0x120: {  	[tilespmem:$0x7580] =	vst v17  }
0x121: {  	[tilespmem:$0x7590] =	vst v17  }
0x122: {  	[tilespmem:$0x75A0] =	vst v17  }
0x123: {  	[tilespmem:$0x75B0] =	vst v17  }
0x124: {  	[tilespmem:$0x75C0] =	vst v17  }
0x125: {  	[tilespmem:$0x7600] =	vst v17  }
0x126: {  	[tilespmem:$0x7610] =	vst v17  }
0x127: {  	[tilespmem:$0x7620] =	vst v17  }
0x128: {  	[tilespmem:$0x7630] =	vst v17  }
0x129: {  	[tilespmem:$0x7640] =	vst v17  }
0x12a: {  	[tilespmem:$0x7680] =	vst v17  }
0x12b: {  	[tilespmem:$0x7690] =	vst v17  }
0x12c: {  	[tilespmem:$0x76A0] =	vst v17  }
0x12d: {  	[tilespmem:$0x76B0] =	vst v17  }
0x12e: {  	[tilespmem:$0x76C0] =	vst v17  }
0x12f: {  	[tilespmem:$0x7700] =	vst v17  }
0x130: {  	[tilespmem:$0x7710] =	vst v17  }
0x131: {  	[tilespmem:$0x7720] =	vst v17  }
0x132: {  	[tilespmem:$0x7730] =	vst v17  }
0x133: {  	[tilespmem:$0x7740] =	vst v17  }
0x134: {  	[tilespmem:$0x7780] =	vst v17  }
0x135: {  	[tilespmem:$0x7790] =	vst v17  }
0x136: {  	[tilespmem:$0x77A0] =	vst v17  }
0x137: {  	[tilespmem:$0x77B0] =	vst v17  }
0x138: {  	[tilespmem:$0x77C0] =	vst v17  }
0x139: {  	[tilespmem:$0x7800] =	vst v17  }
0x13a: {  	[tilespmem:$0x7810] =	vst v17  }
0x13b: {  	[tilespmem:$0x7820] =	vst v17  }
0x13c: {  	[tilespmem:$0x7830] =	vst v17  }
0x13d: {  	[tilespmem:$0x7840] =	vst v17  }
0x13e: {  	[tilespmem:$0x7880] =	vst v17  }
0x13f: {  	[tilespmem:$0x7890] =	vst v17  }
0x140: {  	[tilespmem:$0x78A0] =	vst v17  }
0x141: {  	[tilespmem:$0x78B0] =	vst v17  }
0x142: {  	[tilespmem:$0x78C0] =	vst v17  }
0x143: {  	[tilespmem:$0x7900] =	vst v17  }
0x144: {  	[tilespmem:$0x7910] =	vst v17  }
0x145: {  	[tilespmem:$0x7920] =	vst v17  }
0x146: {  	[tilespmem:$0x7930] =	vst v17  }
0x147: {  	[tilespmem:$0x7940] =	vst v17  }
0x148: {  	[tilespmem:$0x7980] =	vst v17  }
0x149: {  	[tilespmem:$0x7990] =	vst v17  }
0x14a: {  	[tilespmem:$0x79A0] =	vst v17  }
0x14b: {  	[tilespmem:$0x79B0] =	vst v17  }
0x14c: {  	[tilespmem:$0x79C0] =	vst v17  }
0x14d: {  	[tilespmem:$0x7A00] =	vst v17  }
0x14e: {  	[tilespmem:$0x7A10] =	vst v17  }
0x14f: {  	[tilespmem:$0x7A20] =	vst v17  }
0x150: {  	[tilespmem:$0x7A30] =	vst v17  }
0x151: {  	[tilespmem:$0x7A40] =	vst v17  }
0x152: {  	[tilespmem:$0x7A80] =	vst v17  }
0x153: {  	[tilespmem:$0x7A90] =	vst v17  }
0x154: {  	[tilespmem:$0x7AA0] =	vst v17  }
0x155: {  	[tilespmem:$0x7AB0] =	vst v17  }
0x156: {  	[tilespmem:$0x7AC0] =	vst v17  }
0x157: {  	[tilespmem:$0x7B00] =	vst v17  }
0x158: {  	[tilespmem:$0x7B10] =	vst v17  }
0x159: {  	[tilespmem:$0x7B20] =	vst v17  }
0x15a: {  	[tilespmem:$0x7B30] =	vst v17  }
0x15b: {  	[tilespmem:$0x7B40] =	vst v17  }
0x15c: {  	[tilespmem:$0x7B80] =	vst v17  }
.Ltmp16:
0x15d: {  	[tilespmem:$0x7B90] =	vst v17;
	(pc) =	sbr.rel .LBB2_21-.Ltmp16, $4  }
0x15e: {  	[tilespmem:$0x7BA0] =	vst v17  }
0x15f: {  	[tilespmem:$0x7BB0] =	vst v17  }
0x160: {  	[tilespmem:$0x7BC0] =	vst v17  }
0x161: {  	[tilespmem:$0x7D80] =	vst v17;
	s21 =	simm.s32 $0x0  }
.LBB2_25:
0x162: {  	s21 =	sadd.s32 $0x1, s21  }
0x163: {  	p2 =	sne.s32 s21, $0x4  }
.Ltmp17:
0x164: {  	_ = 	snop;
	(pc) =	sbr.rel @!p2 .LBB2_26-.Ltmp17, $1  }
0x165: {  	_ =	sdelay $0x3  }
.LBB2_21:
0x166: {  	s22 =	sshll.u32 s21, $0x4  }
0x167: {  	v20 =	vld [tilespmem:s22+$0x2200];
	_ =	sdelay $0x2  }
0x168: {  	s23 =	ssub.s32 $0x3C, s22  }
0x169: {  	v21 =	vmov s23  }
0x16a: {  	vm0 =	vgt.u32 v21, v0;
	vm1 =	vge.s32 v20, v4  }
0x16b: {  	vm0 =	vmand vm0, vm1;
	vm1 =	vlt.s32 v20, v5  }
0x16c: {  	vm0 =	vmand vm1, vm0  }
0x16d: {  	v20 =	vsel vm0, $0x3F800000, v17  }
0x16e: {  	(xrf0) =	vmax.scan.msk.f32 $0xffff, v20;
	_ =	sdelay $0x5  }
0x16f: {  	v20, _, _ =	vpop (xrf0)  }
0x170: {  	(v2sf) =	vpush v20, $0xF;
	_ =	sdelay $0xe  }
0x171: {  	s31 =	spop (v2sf)  }
0x172: {  	p2 =	sgt.f32 s31, $0.0e+00  }
.Ltmp18:
0x173: {  	_ = 	snop;
	(pc) =	sbr.rel @!p2 .LBB2_25-.Ltmp18, $1  }
0x174: {  	_ =	sdelay $0x3  }
0x175: {  	v20 =	vld [tilespmem:s22+$0x2280]  }
0x176: {  	v21 =	vld [tilespmem:s22+$0x2300];
	_ =	sdelay $0x2  }
0x177: {  	s31 =	simm.s32 $0x0  }
0x178: {  	v22 =	vmov s31  }
0x179: {  	vm1 =	veq.s32 v22, v0;
	v23 =	vand.u32 $0xFFFFFF80, v21;
	v24 =	vshll.u32 v20, $0x7  }
0x17a: {  	vm1 =	vmand vm0, vm1;
	v21 =	vand.u32 $0x7F, v21;
	v22 =	vadd.s32 v24, v23  }
0x17b: {  	s22 =	simm.s32 $0x1;
	vm2 =	vmmov vm1;
	v21 =	vor.u32 v21, v22  }
.LBB2_23:
0x17c: {  	p2 =	sne.s32 s22, $0xF  }
.Ltmp19:
0x17d: {  	_ = 	snop;
	(pc) =	sbr.rel @p2 .LBB2_23-.Ltmp19, $4  }
0x17e: {  	v22 =	vmov s22  }
0x17f: {  	vm3 =	veq.s32 v22, v0  }
0x180: {  	[tilespmem:v21+s17+$0x0] =	vst.idx.add.f32.msk vm1, v19;
	vm1 =	vmand vm0, vm3  }
0x181: {  	s22 =	sadd.s32 $0x1, s22;
	[tilespmem:v20+s18+$0x0] =	vst.idx.add.f32.msk vm2, v19;
	vm2 =	vmmov vm1  }
0x182: {  	_ =	sdelay $0x1  }
.Ltmp20:
0x183: {  	_ = 	snop;
	(pc) =	sbr.rel .LBB2_25-.Ltmp20, $3  }
0x184: {  	_ =	sdelay $0x1  }
0x185: {  	[tilespmem:v21+s17+$0x0] =	vst.idx.add.f32.msk vm1, v19  }
0x186: {  	[tilespmem:v20+s18+$0x0] =	vst.idx.add.f32.msk vm2, v19  }
.LBB2_28:
0x187: {  	_ =	sfence.sel $0x180000  }
0x188: {  	[bflag:$0x0] =	sbarrier.arrive $0xFFFF  }
0x189: {  	p0 =	sne.s32 s0, $0x0;
	_ =	strace $0x90000047  }
0x18a: {  	s0 =	sadd.s32 @!p0 $0x100000, s3;
	[bflag:$0x2] =	sbarrier.arrive $0xFFFF  }
0x18b: {  	[sflag:s0] =	ssyncadd.tile.s32 @!p0 $0x1;
	_ =	shalt  }
.Lfunc_end2:
_tile_overlayer_lowered:
.L_overlay_start_2:
0x18c: {  	(tag) =	ssettag $0x2  }
0x18d: {  	s0 =	rddreg [dreg:$0x0];
	s2 =	stileid.u32  }
0x18e: {  	s1 =	rddreg [dreg:$0x1];
	p0 =	sne.s32 s2, $0x0  }
0x18f: {  	s3 =	rddreg [dreg:$0x2];
	[bflag:$0x3] =	sbarrier.arrive $0xFFFF;
	s2 =	simm.s32 @!p0 $0x1C02  }
0x190: {  	[timem:s3], [sflag:s2] =	dma.local @!p0 [hbm:s0], s1  }
0x191: {  	s0 =	simm.s32 @!p0 $0x2  }
0x192: {  	_ =	swait.ge @!p0 [sflag:s0], s1  }
0x193: {  	s1 =	ssub.s32 @!p0 $0x0, s1;
	[sflag:s0] =	ssyncset.done @!p0 $0x0  }
0x194: {  	[sflag:s0] =	ssyncadd.s32 @!p0 s1  }
0x195: {  	[bflag:$0x3] =	sbarrier.arrive $0xFFFF  }
0x196: {  	_ =	shalt  }

</sc_bundles>
